<compile_context>
chip_gen: v7x
topology: tpu7x:2x2x1
jax: 0.10.2.dev20260603
libtpu: 0.0.44.dev20260713+nightly
codegen_flags: <defaults>
</compile_context>

<pallas_src>
import jax
import jax.numpy as jnp
from jax import lax
from jax.experimental import pallas as pl
from jax.experimental.pallas import tpu as pltpu
from jax.experimental.pallas import tpu_sc as plsc

NUM_CLASSES = 1000
B, S = 1024, 20
NC, NS, L = 2, 16, 16
NW = NC * NS
BPW = B // NW
CHB = 2
NCHUNK = BPW // CHB
ROWS_PER_CHUNK = CHB * S
ROWS_PER_WORKER = BPW * S
NGROUP = (ROWS_PER_CHUNK + L - 1) // L


def _sc_body(x_hbm, z_hbm, out_hbm, idx_v, buf0, buf1, sem0, sem1):
    wid = lax.axis_index("s") * NC + lax.axis_index("c")
    row0 = wid * ROWS_PER_WORKER
    bb0 = wid * BPW

    pltpu.sync_copy(
        x_hbm.at[pl.ds(row0, ROWS_PER_WORKER)], idx_v.at[pl.ds(0, ROWS_PER_WORKER)]
    )
    pltpu.sync_copy(z_hbm, buf0)
    pltpu.sync_copy(z_hbm, buf1)

    iota = lax.iota(jnp.int32, L)
    ones = jnp.full((L,), 1.0, jnp.float32)
    zeros = jnp.zeros((L,), jnp.float32)
    groups = []
    for k in range(NGROUP):
        i = iota + k * L
        b = i // S
        s = i - b * S
        n_valid = min(ROWS_PER_CHUNK - k * L, L)
        mask = (iota < n_valid) if n_valid < L else None
        groups.append((b, s, mask))

    def scatter_chunk(buf, c, val):
        for k in range(NGROUP):
            b, s, mask = groups[k]
            cols = idx_v[pl.ds(c * ROWS_PER_CHUNK + k * L, L)]
            plsc.store_scatter(buf, [b, s, cols], val, mask=mask)

    bufs = (buf0, buf1)
    sems = (sem0, sem1)
    copies = [None, None]
    for c in range(NCHUNK):
        buf = bufs[c % 2]
        if copies[c % 2] is not None:
            copies[c % 2].wait()
            scatter_chunk(buf, c - 2, zeros)
        scatter_chunk(buf, c, ones)
        cp = pltpu.make_async_copy(buf, out_hbm.at[pl.ds(bb0 + c * CHB, CHB)], sems[c % 2])
        cp.start()
        copies[c % 2] = cp
    copies[0].wait()
    copies[1].wait()


def kernel(x, table):
    del table
    mesh = plsc.VectorSubcoreMesh(
        core_axis_name="c", subcore_axis_name="s", num_cores=NC, num_subcores=NS
    )
    sc_kernel = pl.kernel(
        _sc_body,
        out_type=jax.ShapeDtypeStruct((B, S, NUM_CLASSES), jnp.float32),
        mesh=mesh,
        scratch_types=[
            pltpu.VMEM((ROWS_PER_WORKER + L,), jnp.int32),
            pltpu.VMEM((CHB, S, NUM_CLASSES), jnp.float32),
            pltpu.VMEM((CHB, S, NUM_CLASSES), jnp.float32),
            pltpu.SemaphoreType.DMA,
            pltpu.SemaphoreType.DMA,
        ],
        compiler_params=pltpu.CompilerParams(needs_layout_passes=False),
    )
    zeros_chunk = jnp.zeros((CHB, S, NUM_CLASSES), jnp.float32)
    return sc_kernel(x.reshape(-1), zeros_chunk)

# --- scband reference (transcript-rebuilt; emitter-appended) ---
"""Pipeline reference for scband-one-hot-layer-72962904424931 (READ-ONLY COPY).

The authoritative reference and input builder live on the scoring server;
editing this copy changes nothing except your own understanding.
"""

import jax, jax.numpy as jnp
import numpy as np

NUM_CLASSES = 1000

def setup_inputs(seed: int = 0) -> dict:
    key = jax.random.key(seed)
    x = jax.random.randint(key, (1024, 20), 0, NUM_CLASSES)
    # frozen one-hot embedding table: identity matrix (eye), as in the torch module
    table = jnp.eye(NUM_CLASSES, dtype=jnp.float32)
    return {"x": x, "table": table}

def reference(x, table):
    # nn.Embedding lookup == row gather from the table
    return jnp.take(table, x, axis=0)

if __name__ == "__main__":
    import jax
    _d = setup_inputs()
    print(jax.jit(kernel)(*tuple(_d.values())))

</pallas_src>

<mosaic_0001>
#map = affine_map<(d0, d1) -> (0)>
#map1 = affine_map<(d0, d1) -> (0, 0, 0)>
module attributes {stable_mosaic.version = 14 : i64} {
  func.func @_sc_body(%arg0: i32, %arg1: i32, %arg2: memref<20480xi32, #tpu.memory_space<hbm>>, %arg3: memref<2x20x1000xf32, #tpu.memory_space<hbm>>, %arg4: memref<1024x20x1000xf32, #tpu.memory_space<hbm>>, %arg5: memref<656xi32, #tpu.memory_space<vmem>>, %arg6: memref<2x20x1000xf32, #tpu.memory_space<vmem>>, %arg7: memref<2x20x1000xf32, #tpu.memory_space<vmem>>, %arg8: memref<!tpu.dma_semaphore, #tpu.memory_space<semaphore_mem>>, %arg9: memref<!tpu.dma_semaphore, #tpu.memory_space<semaphore_mem>>) attributes {dimension_semantics = [#tpu.dimension_semantics<core_parallel>, #tpu.dimension_semantics<subcore_parallel>], iteration_bounds = array<i64: 2, 16>, scalar_prefetch = 0 : i64, scratch_operands = 5 : i64, tpu.core_type = #tpu.core_type<sc_vector_subcore>, window_params = [{transform_indices = #map}, {transform_indices = #map1}, {transform_indices = #map1}]} {
    %mul3A = arith.constant 2 : i32
    %mul3A_0 = arith.muli %arg1, %mul3A : i32
    %add3A = arith.addi %mul3A_0, %arg0 : i32
    %mul3A_1 = arith.constant 640 : i32
    %mul3A_2 = arith.muli %add3A, %mul3A_1 : i32
    %mul3A_3 = arith.constant 32 : i32
    %mul3A_4 = arith.muli %add3A, %mul3A_3 : i32
    "tpu.region"() ({
      %run_scoped3A = tpu.sem_alloc : memref<!tpu.dma_semaphore, #tpu.memory_space<semaphore_mem>>
      %dma_start3A_517 = arith.constant 0 : i32
      %dma_start3A_518 = tpu.memref_slice %arg5[%dma_start3A_517] : memref<656xi32, #tpu.memory_space<vmem>> -> memref<640xi32, #tpu.memory_space<vmem>>
      %dma_start3A_519 = tpu.memref_slice %arg2[%mul3A_2] : memref<20480xi32, #tpu.memory_space<hbm>> -> memref<640xi32, #tpu.memory_space<hbm>>
      %dma_start3A_520 = arith.constant 0 : i32
      %dma_start3A_521 = tpu.memref_slice %arg5[%dma_start3A_520] : memref<656xi32, #tpu.memory_space<vmem>> -> memref<640xi32, #tpu.memory_space<vmem>>
      %dma_start3A_522 = tpu.memref_slice %arg2[%mul3A_2] : memref<20480xi32, #tpu.memory_space<hbm>> -> memref<640xi32, #tpu.memory_space<hbm>>
      tpu.enqueue_dma source(%dma_start3A_522 : memref<640xi32, #tpu.memory_space<hbm>>) target(%dma_start3A_521 : memref<640xi32, #tpu.memory_space<vmem>>) target_semaphore(%run_scoped3A : memref<!tpu.dma_semaphore, #tpu.memory_space<semaphore_mem>>)
      %dma_wait3A_523 = arith.constant 0 : i32
      %dma_wait3A_524 = tpu.memref_slice %arg5[%dma_wait3A_523] : memref<656xi32, #tpu.memory_space<vmem>> -> memref<640xi32, #tpu.memory_space<vmem>>
      %dma_wait3A_525 = tpu.memref_slice %arg2[%mul3A_2] : memref<20480xi32, #tpu.memory_space<hbm>> -> memref<640xi32, #tpu.memory_space<hbm>>
      %dma_wait3A_526 = arith.constant 0 : i32
      %dma_wait3A_527 = tpu.memref_slice %arg5[%dma_wait3A_526] : memref<656xi32, #tpu.memory_space<vmem>> -> memref<640xi32, #tpu.memory_space<vmem>>
      %dma_wait3A_528 = tpu.memref_slice %arg2[%mul3A_2] : memref<20480xi32, #tpu.memory_space<hbm>> -> memref<640xi32, #tpu.memory_space<hbm>>
      tpu.wait_dma2 semaphore(%run_scoped3A : memref<!tpu.dma_semaphore, #tpu.memory_space<semaphore_mem>>) src(%dma_wait3A_528 : memref<640xi32, #tpu.memory_space<hbm>>) dst(%dma_wait3A_527 : memref<640xi32, #tpu.memory_space<vmem>>)
      tpu.yield
    }) : () -> ()
    "tpu.region"() ({
      %run_scoped3A = tpu.sem_alloc : memref<!tpu.dma_semaphore, #tpu.memory_space<semaphore_mem>>
      tpu.enqueue_dma source(%arg3 : memref<2x20x1000xf32, #tpu.memory_space<hbm>>) target(%arg6 : memref<2x20x1000xf32, #tpu.memory_space<vmem>>) target_semaphore(%run_scoped3A : memref<!tpu.dma_semaphore, #tpu.memory_space<semaphore_mem>>)
      tpu.wait_dma2 semaphore(%run_scoped3A : memref<!tpu.dma_semaphore, #tpu.memory_space<semaphore_mem>>) src(%arg3 : memref<2x20x1000xf32, #tpu.memory_space<hbm>>) dst(%arg6 : memref<2x20x1000xf32, #tpu.memory_space<vmem>>)
      tpu.yield
    }) : () -> ()
    "tpu.region"() ({
      %run_scoped3A = tpu.sem_alloc : memref<!tpu.dma_semaphore, #tpu.memory_space<semaphore_mem>>
      tpu.enqueue_dma source(%arg3 : memref<2x20x1000xf32, #tpu.memory_space<hbm>>) target(%arg7 : memref<2x20x1000xf32, #tpu.memory_space<vmem>>) target_semaphore(%run_scoped3A : memref<!tpu.dma_semaphore, #tpu.memory_space<semaphore_mem>>)
      tpu.wait_dma2 semaphore(%run_scoped3A : memref<!tpu.dma_semaphore, #tpu.memory_space<semaphore_mem>>) src(%arg3 : memref<2x20x1000xf32, #tpu.memory_space<hbm>>) dst(%arg7 : memref<2x20x1000xf32, #tpu.memory_space<vmem>>)
      tpu.yield
    }) : () -> ()
    %iota3A = tpu.iota {dimensions = array<i32: 0>} : vector<16xi32>
    %broadcast_in_dim3A = arith.constant 1.000000e+00 : f32
    %broadcast_in_dim3A_5 = vector.broadcast %broadcast_in_dim3A : f32 to vector<16xf32>
    %broadcast_in_dim3A_6 = arith.constant 0.000000e+00 : f32
    %broadcast_in_dim3A_7 = vector.broadcast %broadcast_in_dim3A_6 : f32 to vector<16xf32>
    %add3A_8 = arith.constant 0 : i32
    %add3A_9 = vector.broadcast %add3A_8 : i32 to vector<16xi32>
    %add3A_10 = arith.addi %iota3A, %add3A_9 : vector<16xi32>
    %jit3A = arith.constant 20 : i32
    %div3A = vector.broadcast %jit3A : i32 to vector<16xi32>
    %div3A_11 = arith.divsi %add3A_10, %div3A : vector<16xi32>
    %sign3A = arith.constant 0 : i32
    %sign3A_12 = vector.broadcast %sign3A : i32 to vector<16xi32>
    %sign3A_13 = arith.cmpi sgt, %add3A_10, %sign3A_12 : vector<16xi32>
    %sign3A_14 = arith.extui %sign3A_13 : vector<16xi1> to vector<16xi32>
    %sign3A_15 = arith.constant 0 : i32
    %sign3A_16 = vector.broadcast %sign3A_15 : i32 to vector<16xi32>
    %sign3A_17 = arith.cmpi slt, %add3A_10, %sign3A_16 : vector<16xi32>
    %sign3A_18 = arith.extui %sign3A_17 : vector<16xi1> to vector<16xi32>
    %sign3A_19 = arith.subi %sign3A_14, %sign3A_18 : vector<16xi32>
    %sign3A_20 = arith.constant 0 : i32
    %sign3A_21 = arith.cmpi sgt, %jit3A, %sign3A_20 : i32
    %sign3A_22 = arith.extui %sign3A_21 : i1 to i32
    %sign3A_23 = arith.constant 0 : i32
    %sign3A_24 = arith.cmpi slt, %jit3A, %sign3A_23 : i32
    %sign3A_25 = arith.extui %sign3A_24 : i1 to i32
    %sign3A_26 = arith.subi %sign3A_22, %sign3A_25 : i32
    %ne3A = vector.broadcast %sign3A_26 : i32 to vector<16xi32>
    %ne3A_27 = arith.cmpi ne, %sign3A_19, %ne3A : vector<16xi32>
    %rem3A = vector.broadcast %jit3A : i32 to vector<16xi32>
    %rem3A_28 = arith.remsi %add3A_10, %rem3A : vector<16xi32>
    %ne3A_29 = arith.constant 0 : i32
    %ne3A_30 = vector.broadcast %ne3A_29 : i32 to vector<16xi32>
    %ne3A_31 = arith.cmpi ne, %rem3A_28, %ne3A_30 : vector<16xi32>
    %and3A = arith.andi %ne3A_27, %ne3A_31 : vector<16xi1>
    %sub3A = arith.constant 1 : i32
    %sub3A_32 = vector.broadcast %sub3A : i32 to vector<16xi32>
    %sub3A_33 = arith.subi %div3A_11, %sub3A_32 : vector<16xi32>
    %select_n3A = arith.select %and3A, %sub3A_33, %div3A_11 : vector<16xi1>, vector<16xi32>
    %mul3A_34 = arith.constant 20 : i32
    %mul3A_35 = vector.broadcast %mul3A_34 : i32 to vector<16xi32>
    %mul3A_36 = arith.muli %select_n3A, %mul3A_35 : vector<16xi32>
    %sub3A_37 = arith.subi %add3A_10, %mul3A_36 : vector<16xi32>
    %add3A_38 = arith.constant 16 : i32
    %add3A_39 = vector.broadcast %add3A_38 : i32 to vector<16xi32>
    %add3A_40 = arith.addi %iota3A, %add3A_39 : vector<16xi32>
    %jit3A_41 = arith.constant 20 : i32
    %div3A_42 = vector.broadcast %jit3A_41 : i32 to vector<16xi32>
    %div3A_43 = arith.divsi %add3A_40, %div3A_42 : vector<16xi32>
    %sign3A_44 = arith.constant 0 : i32
    %sign3A_45 = vector.broadcast %sign3A_44 : i32 to vector<16xi32>
    %sign3A_46 = arith.cmpi sgt, %add3A_40, %sign3A_45 : vector<16xi32>
    %sign3A_47 = arith.extui %sign3A_46 : vector<16xi1> to vector<16xi32>
    %sign3A_48 = arith.constant 0 : i32
    %sign3A_49 = vector.broadcast %sign3A_48 : i32 to vector<16xi32>
    %sign3A_50 = arith.cmpi slt, %add3A_40, %sign3A_49 : vector<16xi32>
    %sign3A_51 = arith.extui %sign3A_50 : vector<16xi1> to vector<16xi32>
    %sign3A_52 = arith.subi %sign3A_47, %sign3A_51 : vector<16xi32>
    %sign3A_53 = arith.constant 0 : i32
    %sign3A_54 = arith.cmpi sgt, %jit3A_41, %sign3A_53 : i32
    %sign3A_55 = arith.extui %sign3A_54 : i1 to i32
    %sign3A_56 = arith.constant 0 : i32
    %sign3A_57 = arith.cmpi slt, %jit3A_41, %sign3A_56 : i32
    %sign3A_58 = arith.extui %sign3A_57 : i1 to i32
    %sign3A_59 = arith.subi %sign3A_55, %sign3A_58 : i32
    %ne3A_60 = vector.broadcast %sign3A_59 : i32 to vector<16xi32>
    %ne3A_61 = arith.cmpi ne, %sign3A_52, %ne3A_60 : vector<16xi32>
    %rem3A_62 = vector.broadcast %jit3A_41 : i32 to vector<16xi32>
    %rem3A_63 = arith.remsi %add3A_40, %rem3A_62 : vector<16xi32>
    %ne3A_64 = arith.constant 0 : i32
    %ne3A_65 = vector.broadcast %ne3A_64 : i32 to vector<16xi32>
    %ne3A_66 = arith.cmpi ne, %rem3A_63, %ne3A_65 : vector<16xi32>
    %and3A_67 = arith.andi %ne3A_61, %ne3A_66 : vector<16xi1>
    %sub3A_68 = arith.constant 1 : i32
    %sub3A_69 = vector.broadcast %sub3A_68 : i32 to vector<16xi32>
    %sub3A_70 = arith.subi %div3A_43, %sub3A_69 : vector<16xi32>
    %select_n3A_71 = arith.select %and3A_67, %sub3A_70, %div3A_43 : vector<16xi1>, vector<16xi32>
    %mul3A_72 = arith.constant 20 : i32
    %mul3A_73 = vector.broadcast %mul3A_72 : i32 to vector<16xi32>
    %mul3A_74 = arith.muli %select_n3A_71, %mul3A_73 : vector<16xi32>
    %sub3A_75 = arith.subi %add3A_40, %mul3A_74 : vector<16xi32>
    %add3A_76 = arith.constant 32 : i32
    %add3A_77 = vector.broadcast %add3A_76 : i32 to vector<16xi32>
    %add3A_78 = arith.addi %iota3A, %add3A_77 : vector<16xi32>
    %jit3A_79 = arith.constant 20 : i32
    %div3A_80 = vector.broadcast %jit3A_79 : i32 to vector<16xi32>
    %div3A_81 = arith.divsi %add3A_78, %div3A_80 : vector<16xi32>
    %sign3A_82 = arith.constant 0 : i32
    %sign3A_83 = vector.broadcast %sign3A_82 : i32 to vector<16xi32>
    %sign3A_84 = arith.cmpi sgt, %add3A_78, %sign3A_83 : vector<16xi32>
    %sign3A_85 = arith.extui %sign3A_84 : vector<16xi1> to vector<16xi32>
    %sign3A_86 = arith.constant 0 : i32
    %sign3A_87 = vector.broadcast %sign3A_86 : i32 to vector<16xi32>
    %sign3A_88 = arith.cmpi slt, %add3A_78, %sign3A_87 : vector<16xi32>
    %sign3A_89 = arith.extui %sign3A_88 : vector<16xi1> to vector<16xi32>
    %sign3A_90 = arith.subi %sign3A_85, %sign3A_89 : vector<16xi32>
    %sign3A_91 = arith.constant 0 : i32
    %sign3A_92 = arith.cmpi sgt, %jit3A_79, %sign3A_91 : i32
    %sign3A_93 = arith.extui %sign3A_92 : i1 to i32
    %sign3A_94 = arith.constant 0 : i32
    %sign3A_95 = arith.cmpi slt, %jit3A_79, %sign3A_94 : i32
    %sign3A_96 = arith.extui %sign3A_95 : i1 to i32
    %sign3A_97 = arith.subi %sign3A_93, %sign3A_96 : i32
    %ne3A_98 = vector.broadcast %sign3A_97 : i32 to vector<16xi32>
    %ne3A_99 = arith.cmpi ne, %sign3A_90, %ne3A_98 : vector<16xi32>
    %rem3A_100 = vector.broadcast %jit3A_79 : i32 to vector<16xi32>
    %rem3A_101 = arith.remsi %add3A_78, %rem3A_100 : vector<16xi32>
    %ne3A_102 = arith.constant 0 : i32
    %ne3A_103 = vector.broadcast %ne3A_102 : i32 to vector<16xi32>
    %ne3A_104 = arith.cmpi ne, %rem3A_101, %ne3A_103 : vector<16xi32>
    %and3A_105 = arith.andi %ne3A_99, %ne3A_104 : vector<16xi1>
    %sub3A_106 = arith.constant 1 : i32
    %sub3A_107 = vector.broadcast %sub3A_106 : i32 to vector<16xi32>
    %sub3A_108 = arith.subi %div3A_81, %sub3A_107 : vector<16xi32>
    %select_n3A_109 = arith.select %and3A_105, %sub3A_108, %div3A_81 : vector<16xi1>, vector<16xi32>
    %mul3A_110 = arith.constant 20 : i32
    %mul3A_111 = vector.broadcast %mul3A_110 : i32 to vector<16xi32>
    %mul3A_112 = arith.muli %select_n3A_109, %mul3A_111 : vector<16xi32>
    %sub3A_113 = arith.subi %add3A_78, %mul3A_112 : vector<16xi32>
    %lt3A = arith.constant 8 : i32
    %lt3A_114 = vector.broadcast %lt3A : i32 to vector<16xi32>
    %lt3A_115 = arith.cmpi slt, %iota3A, %lt3A_114 : vector<16xi32>
    %get3A = arith.constant 0 : index
    %get3A_116 = tpu.vector_load %arg5[%get3A] {strides = array<i32>} : memref<656xi32, #tpu.memory_space<vmem>>, vector<16xi32>,
    tpu.vector_store_idx %arg6[%select_n3A, %sub3A_37, %get3A_116], %broadcast_in_dim3A_5 : memref<2x20x1000xf32, #tpu.memory_space<vmem>>[vector<16xi32>, vector<16xi32>, vector<16xi32>], vector<16xf32>,
    %get3A_117 = arith.constant 16 : index
    %get3A_118 = tpu.vector_load %arg5[%get3A_117] {strides = array<i32>} : memref<656xi32, #tpu.memory_space<vmem>>, vector<16xi32>,
    tpu.vector_store_idx %arg6[%select_n3A_71, %sub3A_75, %get3A_118], %broadcast_in_dim3A_5 : memref<2x20x1000xf32, #tpu.memory_space<vmem>>[vector<16xi32>, vector<16xi32>, vector<16xi32>], vector<16xf32>,
    %get3A_119 = arith.constant 32 : index
    %get3A_120 = tpu.vector_load %arg5[%get3A_119] {strides = array<i32>} : memref<656xi32, #tpu.memory_space<vmem>>, vector<16xi32>,
    tpu.vector_store_idx %arg6[%select_n3A_109, %sub3A_113, %get3A_120], %broadcast_in_dim3A_5 masked %lt3A_115 : memref<2x20x1000xf32, #tpu.memory_space<vmem>>[vector<16xi32>, vector<16xi32>, vector<16xi32>], vector<16xf32>, vector<16xi1>
    %add3A_121 = arith.constant 0 : i32
    %add3A_122 = arith.addi %mul3A_4, %add3A_121 : i32
    %dma_start3A = arith.constant 0 : i32
    %dma_start3A_123 = arith.constant 0 : i32
    %dma_start3A_124 = tpu.memref_slice %arg4[%add3A_122, %dma_start3A, %dma_start3A_123] : memref<1024x20x1000xf32, #tpu.memory_space<hbm>> -> memref<2x20x1000xf32, #tpu.memory_space<hbm>>
    %dma_start3A_125 = arith.constant 0 : i32
    %dma_start3A_126 = arith.constant 0 : i32
    %dma_start3A_127 = tpu.memref_slice %arg4[%add3A_122, %dma_start3A_125, %dma_start3A_126] : memref<1024x20x1000xf32, #tpu.memory_space<hbm>> -> memref<2x20x1000xf32, #tpu.memory_space<hbm>>
    tpu.enqueue_dma source(%arg6 : memref<2x20x1000xf32, #tpu.memory_space<vmem>>) target(%dma_start3A_127 : memref<2x20x1000xf32, #tpu.memory_space<hbm>>) target_semaphore(%arg8 : memref<!tpu.dma_semaphore, #tpu.memory_space<semaphore_mem>>)
    %get3A_128 = arith.constant 40 : index
    %get3A_129 = tpu.vector_load %arg5[%get3A_128] {strides = array<i32>} : memref<656xi32, #tpu.memory_space<vmem>>, vector<16xi32>,
    tpu.vector_store_idx %arg7[%select_n3A, %sub3A_37, %get3A_129], %broadcast_in_dim3A_5 : memref<2x20x1000xf32, #tpu.memory_space<vmem>>[vector<16xi32>, vector<16xi32>, vector<16xi32>], vector<16xf32>,
    %get3A_130 = arith.constant 56 : index
    %get3A_131 = tpu.vector_load %arg5[%get3A_130] {strides = array<i32>} : memref<656xi32, #tpu.memory_space<vmem>>, vector<16xi32>,
    tpu.vector_store_idx %arg7[%select_n3A_71, %sub3A_75, %get3A_131], %broadcast_in_dim3A_5 : memref<2x20x1000xf32, #tpu.memory_space<vmem>>[vector<16xi32>, vector<16xi32>, vector<16xi32>], vector<16xf32>,
    %get3A_132 = arith.constant 72 : index
    %get3A_133 = tpu.vector_load %arg5[%get3A_132] {strides = array<i32>} : memref<656xi32, #tpu.memory_space<vmem>>, vector<16xi32>,
    tpu.vector_store_idx %arg7[%select_n3A_109, %sub3A_113, %get3A_133], %broadcast_in_dim3A_5 masked %lt3A_115 : memref<2x20x1000xf32, #tpu.memory_space<vmem>>[vector<16xi32>, vector<16xi32>, vector<16xi32>], vector<16xf32>, vector<16xi1>
    %add3A_134 = arith.constant 2 : i32
    %add3A_135 = arith.addi %mul3A_4, %add3A_134 : i32
    %dma_start3A_136 = arith.constant 0 : i32
    %dma_start3A_137 = arith.constant 0 : i32
    %dma_start3A_138 = tpu.memref_slice %arg4[%add3A_135, %dma_start3A_136, %dma_start3A_137] : memref<1024x20x1000xf32, #tpu.memory_space<hbm>> -> memref<2x20x1000xf32, #tpu.memory_space<hbm>>
    %dma_start3A_139 = arith.constant 0 : i32
    %dma_start3A_140 = arith.constant 0 : i32
    %dma_start3A_141 = tpu.memref_slice %arg4[%add3A_135, %dma_start3A_139, %dma_start3A_140] : memref<1024x20x1000xf32, #tpu.memory_space<hbm>> -> memref<2x20x1000xf32, #tpu.memory_space<hbm>>
    tpu.enqueue_dma source(%arg7 : memref<2x20x1000xf32, #tpu.memory_space<vmem>>) target(%dma_start3A_141 : memref<2x20x1000xf32, #tpu.memory_space<hbm>>) target_semaphore(%arg9 : memref<!tpu.dma_semaphore, #tpu.memory_space<semaphore_mem>>)
    %dma_wait3A = arith.constant 0 : i32
    %dma_wait3A_142 = arith.constant 0 : i32
    %dma_wait3A_143 = tpu.memref_slice %arg4[%add3A_122, %dma_wait3A, %dma_wait3A_142] : memref<1024x20x1000xf32, #tpu.memory_space<hbm>> -> memref<2x20x1000xf32, #tpu.memory_space<hbm>>
    %dma_wait3A_144 = arith.constant 0 : i32
    %dma_wait3A_145 = arith.constant 0 : i32
    %dma_wait3A_146 = tpu.memref_slice %arg4[%add3A_122, %dma_wait3A_144, %dma_wait3A_145] : memref<1024x20x1000xf32, #tpu.memory_space<hbm>> -> memref<2x20x1000xf32, #tpu.memory_space<hbm>>
    tpu.wait_dma2 semaphore(%arg8 : memref<!tpu.dma_semaphore, #tpu.memory_space<semaphore_mem>>) src(%arg6 : memref<2x20x1000xf32, #tpu.memory_space<vmem>>) dst(%dma_wait3A_146 : memref<2x20x1000xf32, #tpu.memory_space<hbm>>)
    %get3A_147 = arith.constant 0 : index
    %get3A_148 = tpu.vector_load %arg5[%get3A_147] {strides = array<i32>} : memref<656xi32, #tpu.memory_space<vmem>>, vector<16xi32>,
    tpu.vector_store_idx %arg6[%select_n3A, %sub3A_37, %get3A_148], %broadcast_in_dim3A_7 : memref<2x20x1000xf32, #tpu.memory_space<vmem>>[vector<16xi32>, vector<16xi32>, vector<16xi32>], vector<16xf32>,
    %get3A_149 = arith.constant 16 : index
    %get3A_150 = tpu.vector_load %arg5[%get3A_149] {strides = array<i32>} : memref<656xi32, #tpu.memory_space<vmem>>, vector<16xi32>,
    tpu.vector_store_idx %arg6[%select_n3A_71, %sub3A_75, %get3A_150], %broadcast_in_dim3A_7 : memref<2x20x1000xf32, #tpu.memory_space<vmem>>[vector<16xi32>, vector<16xi32>, vector<16xi32>], vector<16xf32>,
    %get3A_151 = arith.constant 32 : index
    %get3A_152 = tpu.vector_load %arg5[%get3A_151] {strides = array<i32>} : memref<656xi32, #tpu.memory_space<vmem>>, vector<16xi32>,
    tpu.vector_store_idx %arg6[%select_n3A_109, %sub3A_113, %get3A_152], %broadcast_in_dim3A_7 masked %lt3A_115 : memref<2x20x1000xf32, #tpu.memory_space<vmem>>[vector<16xi32>, vector<16xi32>, vector<16xi32>], vector<16xf32>, vector<16xi1>
    %get3A_153 = arith.constant 80 : index
    %get3A_154 = tpu.vector_load %arg5[%get3A_153] {strides = array<i32>} : memref<656xi32, #tpu.memory_space<vmem>>, vector<16xi32>,
    tpu.vector_store_idx %arg6[%select_n3A, %sub3A_37, %get3A_154], %broadcast_in_dim3A_5 : memref<2x20x1000xf32, #tpu.memory_space<vmem>>[vector<16xi32>, vector<16xi32>, vector<16xi32>], vector<16xf32>,
    %get3A_155 = arith.constant 96 : index
    %get3A_156 = tpu.vector_load %arg5[%get3A_155] {strides = array<i32>} : memref<656xi32, #tpu.memory_space<vmem>>, vector<16xi32>,
    tpu.vector_store_idx %arg6[%select_n3A_71, %sub3A_75, %get3A_156], %broadcast_in_dim3A_5 : memref<2x20x1000xf32, #tpu.memory_space<vmem>>[vector<16xi32>, vector<16xi32>, vector<16xi32>], vector<16xf32>,
    %get3A_157 = arith.constant 112 : index
    %get3A_158 = tpu.vector_load %arg5[%get3A_157] {strides = array<i32>} : memref<656xi32, #tpu.memory_space<vmem>>, vector<16xi32>,
    tpu.vector_store_idx %arg6[%select_n3A_109, %sub3A_113, %get3A_158], %broadcast_in_dim3A_5 masked %lt3A_115 : memref<2x20x1000xf32, #tpu.memory_space<vmem>>[vector<16xi32>, vector<16xi32>, vector<16xi32>], vector<16xf32>, vector<16xi1>
    %add3A_159 = arith.constant 4 : i32
    %add3A_160 = arith.addi %mul3A_4, %add3A_159 : i32
    %dma_start3A_161 = arith.constant 0 : i32
    %dma_start3A_162 = arith.constant 0 : i32
    %dma_start3A_163 = tpu.memref_slice %arg4[%add3A_160, %dma_start3A_161, %dma_start3A_162] : memref<1024x20x1000xf32, #tpu.memory_space<hbm>> -> memref<2x20x1000xf32, #tpu.memory_space<hbm>>
    %dma_start3A_164 = arith.constant 0 : i32
    %dma_start3A_165 = arith.constant 0 : i32
    %dma_start3A_166 = tpu.memref_slice %arg4[%add3A_160, %dma_start3A_164, %dma_start3A_165] : memref<1024x20x1000xf32, #tpu.memory_space<hbm>> -> memref<2x20x1000xf32, #tpu.memory_space<hbm>>
    tpu.enqueue_dma source(%arg6 : memref<2x20x1000xf32, #tpu.memory_space<vmem>>) target(%dma_start3A_166 : memref<2x20x1000xf32, #tpu.memory_space<hbm>>) target_semaphore(%arg8 : memref<!tpu.dma_semaphore, #tpu.memory_space<semaphore_mem>>)
    %dma_wait3A_167 = arith.constant 0 : i32
    %dma_wait3A_168 = arith.constant 0 : i32
    %dma_wait3A_169 = tpu.memref_slice %arg4[%add3A_135, %dma_wait3A_167, %dma_wait3A_168] : memref<1024x20x1000xf32, #tpu.memory_space<hbm>> -> memref<2x20x1000xf32, #tpu.memory_space<hbm>>
    %dma_wait3A_170 = arith.constant 0 : i32
    %dma_wait3A_171 = arith.constant 0 : i32
    %dma_wait3A_172 = tpu.memref_slice %arg4[%add3A_135, %dma_wait3A_170, %dma_wait3A_171] : memref<1024x20x1000xf32, #tpu.memory_space<hbm>> -> memref<2x20x1000xf32, #tpu.memory_space<hbm>>
    tpu.wait_dma2 semaphore(%arg9 : memref<!tpu.dma_semaphore, #tpu.memory_space<semaphore_mem>>) src(%arg7 : memref<2x20x1000xf32, #tpu.memory_space<vmem>>) dst(%dma_wait3A_172 : memref<2x20x1000xf32, #tpu.memory_space<hbm>>)
    %get3A_173 = arith.constant 40 : index
    %get3A_174 = tpu.vector_load %arg5[%get3A_173] {strides = array<i32>} : memref<656xi32, #tpu.memory_space<vmem>>, vector<16xi32>,
    tpu.vector_store_idx %arg7[%select_n3A, %sub3A_37, %get3A_174], %broadcast_in_dim3A_7 : memref<2x20x1000xf32, #tpu.memory_space<vmem>>[vector<16xi32>, vector<16xi32>, vector<16xi32>], vector<16xf32>,
    %get3A_175 = arith.constant 56 : index
    %get3A_176 = tpu.vector_load %arg5[%get3A_175] {strides = array<i32>} : memref<656xi32, #tpu.memory_space<vmem>>, vector<16xi32>,
    tpu.vector_store_idx %arg7[%select_n3A_71, %sub3A_75, %get3A_176], %broadcast_in_dim3A_7 : memref<2x20x1000xf32, #tpu.memory_space<vmem>>[vector<16xi32>, vector<16xi32>, vector<16xi32>], vector<16xf32>,
    %get3A_177 = arith.constant 72 : index
    %get3A_178 = tpu.vector_load %arg5[%get3A_177] {strides = array<i32>} : memref<656xi32, #tpu.memory_space<vmem>>, vector<16xi32>,
    tpu.vector_store_idx %arg7[%select_n3A_109, %sub3A_113, %get3A_178], %broadcast_in_dim3A_7 masked %lt3A_115 : memref<2x20x1000xf32, #tpu.memory_space<vmem>>[vector<16xi32>, vector<16xi32>, vector<16xi32>], vector<16xf32>, vector<16xi1>
    %get3A_179 = arith.constant 120 : index
    %get3A_180 = tpu.vector_load %arg5[%get3A_179] {strides = array<i32>} : memref<656xi32, #tpu.memory_space<vmem>>, vector<16xi32>,
    tpu.vector_store_idx %arg7[%select_n3A, %sub3A_37, %get3A_180], %broadcast_in_dim3A_5 : memref<2x20x1000xf32, #tpu.memory_space<vmem>>[vector<16xi32>, vector<16xi32>, vector<16xi32>], vector<16xf32>,
    %get3A_181 = arith.constant 136 : index
    %get3A_182 = tpu.vector_load %arg5[%get3A_181] {strides = array<i32>} : memref<656xi32, #tpu.memory_space<vmem>>, vector<16xi32>,
    tpu.vector_store_idx %arg7[%select_n3A_71, %sub3A_75, %get3A_182], %broadcast_in_dim3A_5 : memref<2x20x1000xf32, #tpu.memory_space<vmem>>[vector<16xi32>, vector<16xi32>, vector<16xi32>], vector<16xf32>,
    %get3A_183 = arith.constant 152 : index
    %get3A_184 = tpu.vector_load %arg5[%get3A_183] {strides = array<i32>} : memref<656xi32, #tpu.memory_space<vmem>>, vector<16xi32>,
    tpu.vector_store_idx %arg7[%select_n3A_109, %sub3A_113, %get3A_184], %broadcast_in_dim3A_5 masked %lt3A_115 : memref<2x20x1000xf32, #tpu.memory_space<vmem>>[vector<16xi32>, vector<16xi32>, vector<16xi32>], vector<16xf32>, vector<16xi1>
    %add3A_185 = arith.constant 6 : i32
    %add3A_186 = arith.addi %mul3A_4, %add3A_185 : i32
    %dma_start3A_187 = arith.constant 0 : i32
    %dma_start3A_188 = arith.constant 0 : i32
    %dma_start3A_189 = tpu.memref_slice %arg4[%add3A_186, %dma_start3A_187, %dma_start3A_188] : memref<1024x20x1000xf32, #tpu.memory_space<hbm>> -> memref<2x20x1000xf32, #tpu.memory_space<hbm>>
    %dma_start3A_190 = arith.constant 0 : i32
    %dma_start3A_191 = arith.constant 0 : i32
    %dma_start3A_192 = tpu.memref_slice %arg4[%add3A_186, %dma_start3A_190, %dma_start3A_191] : memref<1024x20x1000xf32, #tpu.memory_space<hbm>> -> memref<2x20x1000xf32, #tpu.memory_space<hbm>>
    tpu.enqueue_dma source(%arg7 : memref<2x20x1000xf32, #tpu.memory_space<vmem>>) target(%dma_start3A_192 : memref<2x20x1000xf32, #tpu.memory_space<hbm>>) target_semaphore(%arg9 : memref<!tpu.dma_semaphore, #tpu.memory_space<semaphore_mem>>)
    %dma_wait3A_193 = arith.constant 0 : i32
    %dma_wait3A_194 = arith.constant 0 : i32
    %dma_wait3A_195 = tpu.memref_slice %arg4[%add3A_160, %dma_wait3A_193, %dma_wait3A_194] : memref<1024x20x1000xf32, #tpu.memory_space<hbm>> -> memref<2x20x1000xf32, #tpu.memory_space<hbm>>
    %dma_wait3A_196 = arith.constant 0 : i32
    %dma_wait3A_197 = arith.constant 0 : i32
    %dma_wait3A_198 = tpu.memref_slice %arg4[%add3A_160, %dma_wait3A_196, %dma_wait3A_197] : memref<1024x20x1000xf32, #tpu.memory_space<hbm>> -> memref<2x20x1000xf32, #tpu.memory_space<hbm>>
    tpu.wait_dma2 semaphore(%arg8 : memref<!tpu.dma_semaphore, #tpu.memory_space<semaphore_mem>>) src(%arg6 : memref<2x20x1000xf32, #tpu.memory_space<vmem>>) dst(%dma_wait3A_198 : memref<2x20x1000xf32, #tpu.memory_space<hbm>>)
    %get3A_199 = arith.constant 80 : index
    %get3A_200 = tpu.vector_load %arg5[%get3A_199] {strides = array<i32>} : memref<656xi32, #tpu.memory_space<vmem>>, vector<16xi32>,
    tpu.vector_store_idx %arg6[%select_n3A, %sub3A_37, %get3A_200], %broadcast_in_dim3A_7 : memref<2x20x1000xf32, #tpu.memory_space<vmem>>[vector<16xi32>, vector<16xi32>, vector<16xi32>], vector<16xf32>,
    %get3A_201 = arith.constant 96 : index
    %get3A_202 = tpu.vector_load %arg5[%get3A_201] {strides = array<i32>} : memref<656xi32, #tpu.memory_space<vmem>>, vector<16xi32>,
    tpu.vector_store_idx %arg6[%select_n3A_71, %sub3A_75, %get3A_202], %broadcast_in_dim3A_7 : memref<2x20x1000xf32, #tpu.memory_space<vmem>>[vector<16xi32>, vector<16xi32>, vector<16xi32>], vector<16xf32>,
    %get3A_203 = arith.constant 112 : index
    %get3A_204 = tpu.vector_load %arg5[%get3A_203] {strides = array<i32>} : memref<656xi32, #tpu.memory_space<vmem>>, vector<16xi32>,
    tpu.vector_store_idx %arg6[%select_n3A_109, %sub3A_113, %get3A_204], %broadcast_in_dim3A_7 masked %lt3A_115 : memref<2x20x1000xf32, #tpu.memory_space<vmem>>[vector<16xi32>, vector<16xi32>, vector<16xi32>], vector<16xf32>, vector<16xi1>
    %get3A_205 = arith.constant 160 : index
    %get3A_206 = tpu.vector_load %arg5[%get3A_205] {strides = array<i32>} : memref<656xi32, #tpu.memory_space<vmem>>, vector<16xi32>,
    tpu.vector_store_idx %arg6[%select_n3A, %sub3A_37, %get3A_206], %broadcast_in_dim3A_5 : memref<2x20x1000xf32, #tpu.memory_space<vmem>>[vector<16xi32>, vector<16xi32>, vector<16xi32>], vector<16xf32>,
    %get3A_207 = arith.constant 176 : index
    %get3A_208 = tpu.vector_load %arg5[%get3A_207] {strides = array<i32>} : memref<656xi32, #tpu.memory_space<vmem>>, vector<16xi32>,
    tpu.vector_store_idx %arg6[%select_n3A_71, %sub3A_75, %get3A_208], %broadcast_in_dim3A_5 : memref<2x20x1000xf32, #tpu.memory_space<vmem>>[vector<16xi32>, vector<16xi32>, vector<16xi32>], vector<16xf32>,
    %get3A_209 = arith.constant 192 : index
    %get3A_210 = tpu.vector_load %arg5[%get3A_209] {strides = array<i32>} : memref<656xi32, #tpu.memory_space<vmem>>, vector<16xi32>,
    tpu.vector_store_idx %arg6[%select_n3A_109, %sub3A_113, %get3A_210], %broadcast_in_dim3A_5 masked %lt3A_115 : memref<2x20x1000xf32, #tpu.memory_space<vmem>>[vector<16xi32>, vector<16xi32>, vector<16xi32>], vector<16xf32>, vector<16xi1>
    %add3A_211 = arith.constant 8 : i32
    %add3A_212 = arith.addi %mul3A_4, %add3A_211 : i32
    %dma_start3A_213 = arith.constant 0 : i32
    %dma_start3A_214 = arith.constant 0 : i32
    %dma_start3A_215 = tpu.memref_slice %arg4[%add3A_212, %dma_start3A_213, %dma_start3A_214] : memref<1024x20x1000xf32, #tpu.memory_space<hbm>> -> memref<2x20x1000xf32, #tpu.memory_space<hbm>>
    %dma_start3A_216 = arith.constant 0 : i32
    %dma_start3A_217 = arith.constant 0 : i32
    %dma_start3A_218 = tpu.memref_slice %arg4[%add3A_212, %dma_start3A_216, %dma_start3A_217] : memref<1024x20x1000xf32, #tpu.memory_space<hbm>> -> memref<2x20x1000xf32, #tpu.memory_space<hbm>>
    tpu.enqueue_dma source(%arg6 : memref<2x20x1000xf32, #tpu.memory_space<vmem>>) target(%dma_start3A_218 : memref<2x20x1000xf32, #tpu.memory_space<hbm>>) target_semaphore(%arg8 : memref<!tpu.dma_semaphore, #tpu.memory_space<semaphore_mem>>)
    %dma_wait3A_219 = arith.constant 0 : i32
    %dma_wait3A_220 = arith.constant 0 : i32
    %dma_wait3A_221 = tpu.memref_slice %arg4[%add3A_186, %dma_wait3A_219, %dma_wait3A_220] : memref<1024x20x1000xf32, #tpu.memory_space<hbm>> -> memref<2x20x1000xf32, #tpu.memory_space<hbm>>
    %dma_wait3A_222 = arith.constant 0 : i32
    %dma_wait3A_223 = arith.constant 0 : i32
    %dma_wait3A_224 = tpu.memref_slice %arg4[%add3A_186, %dma_wait3A_222, %dma_wait3A_223] : memref<1024x20x1000xf32, #tpu.memory_space<hbm>> -> memref<2x20x1000xf32, #tpu.memory_space<hbm>>
    tpu.wait_dma2 semaphore(%arg9 : memref<!tpu.dma_semaphore, #tpu.memory_space<semaphore_mem>>) src(%arg7 : memref<2x20x1000xf32, #tpu.memory_space<vmem>>) dst(%dma_wait3A_224 : memref<2x20x1000xf32, #tpu.memory_space<hbm>>)
    %get3A_225 = arith.constant 120 : index
    %get3A_226 = tpu.vector_load %arg5[%get3A_225] {strides = array<i32>} : memref<656xi32, #tpu.memory_space<vmem>>, vector<16xi32>,
    tpu.vector_store_idx %arg7[%select_n3A, %sub3A_37, %get3A_226], %broadcast_in_dim3A_7 : memref<2x20x1000xf32, #tpu.memory_space<vmem>>[vector<16xi32>, vector<16xi32>, vector<16xi32>], vector<16xf32>,
    %get3A_227 = arith.constant 136 : index
    %get3A_228 = tpu.vector_load %arg5[%get3A_227] {strides = array<i32>} : memref<656xi32, #tpu.memory_space<vmem>>, vector<16xi32>,
    tpu.vector_store_idx %arg7[%select_n3A_71, %sub3A_75, %get3A_228], %broadcast_in_dim3A_7 : memref<2x20x1000xf32, #tpu.memory_space<vmem>>[vector<16xi32>, vector<16xi32>, vector<16xi32>], vector<16xf32>,
    %get3A_229 = arith.constant 152 : index
    %get3A_230 = tpu.vector_load %arg5[%get3A_229] {strides = array<i32>} : memref<656xi32, #tpu.memory_space<vmem>>, vector<16xi32>,
    tpu.vector_store_idx %arg7[%select_n3A_109, %sub3A_113, %get3A_230], %broadcast_in_dim3A_7 masked %lt3A_115 : memref<2x20x1000xf32, #tpu.memory_space<vmem>>[vector<16xi32>, vector<16xi32>, vector<16xi32>], vector<16xf32>, vector<16xi1>
    %get3A_231 = arith.constant 200 : index
    %get3A_232 = tpu.vector_load %arg5[%get3A_231] {strides = array<i32>} : memref<656xi32, #tpu.memory_space<vmem>>, vector<16xi32>,
    tpu.vector_store_idx %arg7[%select_n3A, %sub3A_37, %get3A_232], %broadcast_in_dim3A_5 : memref<2x20x1000xf32, #tpu.memory_space<vmem>>[vector<16xi32>, vector<16xi32>, vector<16xi32>], vector<16xf32>,
    %get3A_233 = arith.constant 216 : index
    %get3A_234 = tpu.vector_load %arg5[%get3A_233] {strides = array<i32>} : memref<656xi32, #tpu.memory_space<vmem>>, vector<16xi32>,
    tpu.vector_store_idx %arg7[%select_n3A_71, %sub3A_75, %get3A_234], %broadcast_in_dim3A_5 : memref<2x20x1000xf32, #tpu.memory_space<vmem>>[vector<16xi32>, vector<16xi32>, vector<16xi32>], vector<16xf32>,
    %get3A_235 = arith.constant 232 : index
    %get3A_236 = tpu.vector_load %arg5[%get3A_235] {strides = array<i32>} : memref<656xi32, #tpu.memory_space<vmem>>, vector<16xi32>,
    tpu.vector_store_idx %arg7[%select_n3A_109, %sub3A_113, %get3A_236], %broadcast_in_dim3A_5 masked %lt3A_115 : memref<2x20x1000xf32, #tpu.memory_space<vmem>>[vector<16xi32>, vector<16xi32>, vector<16xi32>], vector<16xf32>, vector<16xi1>
    %add3A_237 = arith.constant 10 : i32
    %add3A_238 = arith.addi %mul3A_4, %add3A_237 : i32
    %dma_start3A_239 = arith.constant 0 : i32
    %dma_start3A_240 = arith.constant 0 : i32
    %dma_start3A_241 = tpu.memref_slice %arg4[%add3A_238, %dma_start3A_239, %dma_start3A_240] : memref<1024x20x1000xf32, #tpu.memory_space<hbm>> -> memref<2x20x1000xf32, #tpu.memory_space<hbm>>
    %dma_start3A_242 = arith.constant 0 : i32
    %dma_start3A_243 = arith.constant 0 : i32
    %dma_start3A_244 = tpu.memref_slice %arg4[%add3A_238, %dma_start3A_242, %dma_start3A_243] : memref<1024x20x1000xf32, #tpu.memory_space<hbm>> -> memref<2x20x1000xf32, #tpu.memory_space<hbm>>
    tpu.enqueue_dma source(%arg7 : memref<2x20x1000xf32, #tpu.memory_space<vmem>>) target(%dma_start3A_244 : memref<2x20x1000xf32, #tpu.memory_space<hbm>>) target_semaphore(%arg9 : memref<!tpu.dma_semaphore, #tpu.memory_space<semaphore_mem>>)
    %dma_wait3A_245 = arith.constant 0 : i32
    %dma_wait3A_246 = arith.constant 0 : i32
    %dma_wait3A_247 = tpu.memref_slice %arg4[%add3A_212, %dma_wait3A_245, %dma_wait3A_246] : memref<1024x20x1000xf32, #tpu.memory_space<hbm>> -> memref<2x20x1000xf32, #tpu.memory_space<hbm>>
    %dma_wait3A_248 = arith.constant 0 : i32
    %dma_wait3A_249 = arith.constant 0 : i32
    %dma_wait3A_250 = tpu.memref_slice %arg4[%add3A_212, %dma_wait3A_248, %dma_wait3A_249] : memref<1024x20x1000xf32, #tpu.memory_space<hbm>> -> memref<2x20x1000xf32, #tpu.memory_space<hbm>>
    tpu.wait_dma2 semaphore(%arg8 : memref<!tpu.dma_semaphore, #tpu.memory_space<semaphore_mem>>) src(%arg6 : memref<2x20x1000xf32, #tpu.memory_space<vmem>>) dst(%dma_wait3A_250 : memref<2x20x1000xf32, #tpu.memory_space<hbm>>)
    %get3A_251 = arith.constant 160 : index
    %get3A_252 = tpu.vector_load %arg5[%get3A_251] {strides = array<i32>} : memref<656xi32, #tpu.memory_space<vmem>>, vector<16xi32>,
    tpu.vector_store_idx %arg6[%select_n3A, %sub3A_37, %get3A_252], %broadcast_in_dim3A_7 : memref<2x20x1000xf32, #tpu.memory_space<vmem>>[vector<16xi32>, vector<16xi32>, vector<16xi32>], vector<16xf32>,
    %get3A_253 = arith.constant 176 : index
    %get3A_254 = tpu.vector_load %arg5[%get3A_253] {strides = array<i32>} : memref<656xi32, #tpu.memory_space<vmem>>, vector<16xi32>,
    tpu.vector_store_idx %arg6[%select_n3A_71, %sub3A_75, %get3A_254], %broadcast_in_dim3A_7 : memref<2x20x1000xf32, #tpu.memory_space<vmem>>[vector<16xi32>, vector<16xi32>, vector<16xi32>], vector<16xf32>,
    %get3A_255 = arith.constant 192 : index
    %get3A_256 = tpu.vector_load %arg5[%get3A_255] {strides = array<i32>} : memref<656xi32, #tpu.memory_space<vmem>>, vector<16xi32>,
    tpu.vector_store_idx %arg6[%select_n3A_109, %sub3A_113, %get3A_256], %broadcast_in_dim3A_7 masked %lt3A_115 : memref<2x20x1000xf32, #tpu.memory_space<vmem>>[vector<16xi32>, vector<16xi32>, vector<16xi32>], vector<16xf32>, vector<16xi1>
    %get3A_257 = arith.constant 240 : index
    %get3A_258 = tpu.vector_load %arg5[%get3A_257] {strides = array<i32>} : memref<656xi32, #tpu.memory_space<vmem>>, vector<16xi32>,
    tpu.vector_store_idx %arg6[%select_n3A, %sub3A_37, %get3A_258], %broadcast_in_dim3A_5 : memref<2x20x1000xf32, #tpu.memory_space<vmem>>[vector<16xi32>, vector<16xi32>, vector<16xi32>], vector<16xf32>,
    %get3A_259 = arith.constant 256 : index
    %get3A_260 = tpu.vector_load %arg5[%get3A_259] {strides = array<i32>} : memref<656xi32, #tpu.memory_space<vmem>>, vector<16xi32>,
    tpu.vector_store_idx %arg6[%select_n3A_71, %sub3A_75, %get3A_260], %broadcast_in_dim3A_5 : memref<2x20x1000xf32, #tpu.memory_space<vmem>>[vector<16xi32>, vector<16xi32>, vector<16xi32>], vector<16xf32>,
    %get3A_261 = arith.constant 272 : index
    %get3A_262 = tpu.vector_load %arg5[%get3A_261] {strides = array<i32>} : memref<656xi32, #tpu.memory_space<vmem>>, vector<16xi32>,
    tpu.vector_store_idx %arg6[%select_n3A_109, %sub3A_113, %get3A_262], %broadcast_in_dim3A_5 masked %lt3A_115 : memref<2x20x1000xf32, #tpu.memory_space<vmem>>[vector<16xi32>, vector<16xi32>, vector<16xi32>], vector<16xf32>, vector<16xi1>
    %add3A_263 = arith.constant 12 : i32
    %add3A_264 = arith.addi %mul3A_4, %add3A_263 : i32
    %dma_start3A_265 = arith.constant 0 : i32
    %dma_start3A_266 = arith.constant 0 : i32
    %dma_start3A_267 = tpu.memref_slice %arg4[%add3A_264, %dma_start3A_265, %dma_start3A_266] : memref<1024x20x1000xf32, #tpu.memory_space<hbm>> -> memref<2x20x1000xf32, #tpu.memory_space<hbm>>
    %dma_start3A_268 = arith.constant 0 : i32
    %dma_start3A_269 = arith.constant 0 : i32
    %dma_start3A_270 = tpu.memref_slice %arg4[%add3A_264, %dma_start3A_268, %dma_start3A_269] : memref<1024x20x1000xf32, #tpu.memory_space<hbm>> -> memref<2x20x1000xf32, #tpu.memory_space<hbm>>
    tpu.enqueue_dma source(%arg6 : memref<2x20x1000xf32, #tpu.memory_space<vmem>>) target(%dma_start3A_270 : memref<2x20x1000xf32, #tpu.memory_space<hbm>>) target_semaphore(%arg8 : memref<!tpu.dma_semaphore, #tpu.memory_space<semaphore_mem>>)
    %dma_wait3A_271 = arith.constant 0 : i32
    %dma_wait3A_272 = arith.constant 0 : i32
    %dma_wait3A_273 = tpu.memref_slice %arg4[%add3A_238, %dma_wait3A_271, %dma_wait3A_272] : memref<1024x20x1000xf32, #tpu.memory_space<hbm>> -> memref<2x20x1000xf32, #tpu.memory_space<hbm>>
    %dma_wait3A_274 = arith.constant 0 : i32
    %dma_wait3A_275 = arith.constant 0 : i32
    %dma_wait3A_276 = tpu.memref_slice %arg4[%add3A_238, %dma_wait3A_274, %dma_wait3A_275] : memref<1024x20x1000xf32, #tpu.memory_space<hbm>> -> memref<2x20x1000xf32, #tpu.memory_space<hbm>>
    tpu.wait_dma2 semaphore(%arg9 : memref<!tpu.dma_semaphore, #tpu.memory_space<semaphore_mem>>) src(%arg7 : memref<2x20x1000xf32, #tpu.memory_space<vmem>>) dst(%dma_wait3A_276 : memref<2x20x1000xf32, #tpu.memory_space<hbm>>)
    %get3A_277 = arith.constant 200 : index
    %get3A_278 = tpu.vector_load %arg5[%get3A_277] {strides = array<i32>} : memref<656xi32, #tpu.memory_space<vmem>>, vector<16xi32>,
    tpu.vector_store_idx %arg7[%select_n3A, %sub3A_37, %get3A_278], %broadcast_in_dim3A_7 : memref<2x20x1000xf32, #tpu.memory_space<vmem>>[vector<16xi32>, vector<16xi32>, vector<16xi32>], vector<16xf32>,
    %get3A_279 = arith.constant 216 : index
    %get3A_280 = tpu.vector_load %arg5[%get3A_279] {strides = array<i32>} : memref<656xi32, #tpu.memory_space<vmem>>, vector<16xi32>,
    tpu.vector_store_idx %arg7[%select_n3A_71, %sub3A_75, %get3A_280], %broadcast_in_dim3A_7 : memref<2x20x1000xf32, #tpu.memory_space<vmem>>[vector<16xi32>, vector<16xi32>, vector<16xi32>], vector<16xf32>,
    %get3A_281 = arith.constant 232 : index
    %get3A_282 = tpu.vector_load %arg5[%get3A_281] {strides = array<i32>} : memref<656xi32, #tpu.memory_space<vmem>>, vector<16xi32>,
    tpu.vector_store_idx %arg7[%select_n3A_109, %sub3A_113, %get3A_282], %broadcast_in_dim3A_7 masked %lt3A_115 : memref<2x20x1000xf32, #tpu.memory_space<vmem>>[vector<16xi32>, vector<16xi32>, vector<16xi32>], vector<16xf32>, vector<16xi1>
    %get3A_283 = arith.constant 280 : index
    %get3A_284 = tpu.vector_load %arg5[%get3A_283] {strides = array<i32>} : memref<656xi32, #tpu.memory_space<vmem>>, vector<16xi32>,
    tpu.vector_store_idx %arg7[%select_n3A, %sub3A_37, %get3A_284], %broadcast_in_dim3A_5 : memref<2x20x1000xf32, #tpu.memory_space<vmem>>[vector<16xi32>, vector<16xi32>, vector<16xi32>], vector<16xf32>,
    %get3A_285 = arith.constant 296 : index
    %get3A_286 = tpu.vector_load %arg5[%get3A_285] {strides = array<i32>} : memref<656xi32, #tpu.memory_space<vmem>>, vector<16xi32>,
    tpu.vector_store_idx %arg7[%select_n3A_71, %sub3A_75, %get3A_286], %broadcast_in_dim3A_5 : memref<2x20x1000xf32, #tpu.memory_space<vmem>>[vector<16xi32>, vector<16xi32>, vector<16xi32>], vector<16xf32>,
    %get3A_287 = arith.constant 312 : index
    %get3A_288 = tpu.vector_load %arg5[%get3A_287] {strides = array<i32>} : memref<656xi32, #tpu.memory_space<vmem>>, vector<16xi32>,
    tpu.vector_store_idx %arg7[%select_n3A_109, %sub3A_113, %get3A_288], %broadcast_in_dim3A_5 masked %lt3A_115 : memref<2x20x1000xf32, #tpu.memory_space<vmem>>[vector<16xi32>, vector<16xi32>, vector<16xi32>], vector<16xf32>, vector<16xi1>
    %add3A_289 = arith.constant 14 : i32
    %add3A_290 = arith.addi %mul3A_4, %add3A_289 : i32
    %dma_start3A_291 = arith.constant 0 : i32
    %dma_start3A_292 = arith.constant 0 : i32
    %dma_start3A_293 = tpu.memref_slice %arg4[%add3A_290, %dma_start3A_291, %dma_start3A_292] : memref<1024x20x1000xf32, #tpu.memory_space<hbm>> -> memref<2x20x1000xf32, #tpu.memory_space<hbm>>
    %dma_start3A_294 = arith.constant 0 : i32
    %dma_start3A_295 = arith.constant 0 : i32
    %dma_start3A_296 = tpu.memref_slice %arg4[%add3A_290, %dma_start3A_294, %dma_start3A_295] : memref<1024x20x1000xf32, #tpu.memory_space<hbm>> -> memref<2x20x1000xf32, #tpu.memory_space<hbm>>
    tpu.enqueue_dma source(%arg7 : memref<2x20x1000xf32, #tpu.memory_space<vmem>>) target(%dma_start3A_296 : memref<2x20x1000xf32, #tpu.memory_space<hbm>>) target_semaphore(%arg9 : memref<!tpu.dma_semaphore, #tpu.memory_space<semaphore_mem>>)
    %dma_wait3A_297 = arith.constant 0 : i32
    %dma_wait3A_298 = arith.constant 0 : i32
    %dma_wait3A_299 = tpu.memref_slice %arg4[%add3A_264, %dma_wait3A_297, %dma_wait3A_298] : memref<1024x20x1000xf32, #tpu.memory_space<hbm>> -> memref<2x20x1000xf32, #tpu.memory_space<hbm>>
    %dma_wait3A_300 = arith.constant 0 : i32
    %dma_wait3A_301 = arith.constant 0 : i32
    %dma_wait3A_302 = tpu.memref_slice %arg4[%add3A_264, %dma_wait3A_300, %dma_wait3A_301] : memref<1024x20x1000xf32, #tpu.memory_space<hbm>> -> memref<2x20x1000xf32, #tpu.memory_space<hbm>>
    tpu.wait_dma2 semaphore(%arg8 : memref<!tpu.dma_semaphore, #tpu.memory_space<semaphore_mem>>) src(%arg6 : memref<2x20x1000xf32, #tpu.memory_space<vmem>>) dst(%dma_wait3A_302 : memref<2x20x1000xf32, #tpu.memory_space<hbm>>)
    %get3A_303 = arith.constant 240 : index
    %get3A_304 = tpu.vector_load %arg5[%get3A_303] {strides = array<i32>} : memref<656xi32, #tpu.memory_space<vmem>>, vector<16xi32>,
    tpu.vector_store_idx %arg6[%select_n3A, %sub3A_37, %get3A_304], %broadcast_in_dim3A_7 : memref<2x20x1000xf32, #tpu.memory_space<vmem>>[vector<16xi32>, vector<16xi32>, vector<16xi32>], vector<16xf32>,
    %get3A_305 = arith.constant 256 : index
    %get3A_306 = tpu.vector_load %arg5[%get3A_305] {strides = array<i32>} : memref<656xi32, #tpu.memory_space<vmem>>, vector<16xi32>,
    tpu.vector_store_idx %arg6[%select_n3A_71, %sub3A_75, %get3A_306], %broadcast_in_dim3A_7 : memref<2x20x1000xf32, #tpu.memory_space<vmem>>[vector<16xi32>, vector<16xi32>, vector<16xi32>], vector<16xf32>,
    %get3A_307 = arith.constant 272 : index
    %get3A_308 = tpu.vector_load %arg5[%get3A_307] {strides = array<i32>} : memref<656xi32, #tpu.memory_space<vmem>>, vector<16xi32>,
    tpu.vector_store_idx %arg6[%select_n3A_109, %sub3A_113, %get3A_308], %broadcast_in_dim3A_7 masked %lt3A_115 : memref<2x20x1000xf32, #tpu.memory_space<vmem>>[vector<16xi32>, vector<16xi32>, vector<16xi32>], vector<16xf32>, vector<16xi1>
    %get3A_309 = arith.constant 320 : index
    %get3A_310 = tpu.vector_load %arg5[%get3A_309] {strides = array<i32>} : memref<656xi32, #tpu.memory_space<vmem>>, vector<16xi32>,
    tpu.vector_store_idx %arg6[%select_n3A, %sub3A_37, %get3A_310], %broadcast_in_dim3A_5 : memref<2x20x1000xf32, #tpu.memory_space<vmem>>[vector<16xi32>, vector<16xi32>, vector<16xi32>], vector<16xf32>,
    %get3A_311 = arith.constant 336 : index
    %get3A_312 = tpu.vector_load %arg5[%get3A_311] {strides = array<i32>} : memref<656xi32, #tpu.memory_space<vmem>>, vector<16xi32>,
    tpu.vector_store_idx %arg6[%select_n3A_71, %sub3A_75, %get3A_312], %broadcast_in_dim3A_5 : memref<2x20x1000xf32, #tpu.memory_space<vmem>>[vector<16xi32>, vector<16xi32>, vector<16xi32>], vector<16xf32>,
    %get3A_313 = arith.constant 352 : index
    %get3A_314 = tpu.vector_load %arg5[%get3A_313] {strides = array<i32>} : memref<656xi32, #tpu.memory_space<vmem>>, vector<16xi32>,
    tpu.vector_store_idx %arg6[%select_n3A_109, %sub3A_113, %get3A_314], %broadcast_in_dim3A_5 masked %lt3A_115 : memref<2x20x1000xf32, #tpu.memory_space<vmem>>[vector<16xi32>, vector<16xi32>, vector<16xi32>], vector<16xf32>, vector<16xi1>
    %add3A_315 = arith.constant 16 : i32
    %add3A_316 = arith.addi %mul3A_4, %add3A_315 : i32
    %dma_start3A_317 = arith.constant 0 : i32
    %dma_start3A_318 = arith.constant 0 : i32
    %dma_start3A_319 = tpu.memref_slice %arg4[%add3A_316, %dma_start3A_317, %dma_start3A_318] : memref<1024x20x1000xf32, #tpu.memory_space<hbm>> -> memref<2x20x1000xf32, #tpu.memory_space<hbm>>
    %dma_start3A_320 = arith.constant 0 : i32
    %dma_start3A_321 = arith.constant 0 : i32
    %dma_start3A_322 = tpu.memref_slice %arg4[%add3A_316, %dma_start3A_320, %dma_start3A_321] : memref<1024x20x1000xf32, #tpu.memory_space<hbm>> -> memref<2x20x1000xf32, #tpu.memory_space<hbm>>
    tpu.enqueue_dma source(%arg6 : memref<2x20x1000xf32, #tpu.memory_space<vmem>>) target(%dma_start3A_322 : memref<2x20x1000xf32, #tpu.memory_space<hbm>>) target_semaphore(%arg8 : memref<!tpu.dma_semaphore, #tpu.memory_space<semaphore_mem>>)
    %dma_wait3A_323 = arith.constant 0 : i32
    %dma_wait3A_324 = arith.constant 0 : i32
    %dma_wait3A_325 = tpu.memref_slice %arg4[%add3A_290, %dma_wait3A_323, %dma_wait3A_324] : memref<1024x20x1000xf32, #tpu.memory_space<hbm>> -> memref<2x20x1000xf32, #tpu.memory_space<hbm>>
    %dma_wait3A_326 = arith.constant 0 : i32
    %dma_wait3A_327 = arith.constant 0 : i32
    %dma_wait3A_328 = tpu.memref_slice %arg4[%add3A_290, %dma_wait3A_326, %dma_wait3A_327] : memref<1024x20x1000xf32, #tpu.memory_space<hbm>> -> memref<2x20x1000xf32, #tpu.memory_space<hbm>>
    tpu.wait_dma2 semaphore(%arg9 : memref<!tpu.dma_semaphore, #tpu.memory_space<semaphore_mem>>) src(%arg7 : memref<2x20x1000xf32, #tpu.memory_space<vmem>>) dst(%dma_wait3A_328 : memref<2x20x1000xf32, #tpu.memory_space<hbm>>)
    %get3A_329 = arith.constant 280 : index
    %get3A_330 = tpu.vector_load %arg5[%get3A_329] {strides = array<i32>} : memref<656xi32, #tpu.memory_space<vmem>>, vector<16xi32>,
    tpu.vector_store_idx %arg7[%select_n3A, %sub3A_37, %get3A_330], %broadcast_in_dim3A_7 : memref<2x20x1000xf32, #tpu.memory_space<vmem>>[vector<16xi32>, vector<16xi32>, vector<16xi32>], vector<16xf32>,
    %get3A_331 = arith.constant 296 : index
    %get3A_332 = tpu.vector_load %arg5[%get3A_331] {strides = array<i32>} : memref<656xi32, #tpu.memory_space<vmem>>, vector<16xi32>,
    tpu.vector_store_idx %arg7[%select_n3A_71, %sub3A_75, %get3A_332], %broadcast_in_dim3A_7 : memref<2x20x1000xf32, #tpu.memory_space<vmem>>[vector<16xi32>, vector<16xi32>, vector<16xi32>], vector<16xf32>,
    %get3A_333 = arith.constant 312 : index
    %get3A_334 = tpu.vector_load %arg5[%get3A_333] {strides = array<i32>} : memref<656xi32, #tpu.memory_space<vmem>>, vector<16xi32>,
    tpu.vector_store_idx %arg7[%select_n3A_109, %sub3A_113, %get3A_334], %broadcast_in_dim3A_7 masked %lt3A_115 : memref<2x20x1000xf32, #tpu.memory_space<vmem>>[vector<16xi32>, vector<16xi32>, vector<16xi32>], vector<16xf32>, vector<16xi1>
    %get3A_335 = arith.constant 360 : index
    %get3A_336 = tpu.vector_load %arg5[%get3A_335] {strides = array<i32>} : memref<656xi32, #tpu.memory_space<vmem>>, vector<16xi32>,
    tpu.vector_store_idx %arg7[%select_n3A, %sub3A_37, %get3A_336], %broadcast_in_dim3A_5 : memref<2x20x1000xf32, #tpu.memory_space<vmem>>[vector<16xi32>, vector<16xi32>, vector<16xi32>], vector<16xf32>,
    %get3A_337 = arith.constant 376 : index
    %get3A_338 = tpu.vector_load %arg5[%get3A_337] {strides = array<i32>} : memref<656xi32, #tpu.memory_space<vmem>>, vector<16xi32>,
    tpu.vector_store_idx %arg7[%select_n3A_71, %sub3A_75, %get3A_338], %broadcast_in_dim3A_5 : memref<2x20x1000xf32, #tpu.memory_space<vmem>>[vector<16xi32>, vector<16xi32>, vector<16xi32>], vector<16xf32>,
    %get3A_339 = arith.constant 392 : index
    %get3A_340 = tpu.vector_load %arg5[%get3A_339] {strides = array<i32>} : memref<656xi32, #tpu.memory_space<vmem>>, vector<16xi32>,
    tpu.vector_store_idx %arg7[%select_n3A_109, %sub3A_113, %get3A_340], %broadcast_in_dim3A_5 masked %lt3A_115 : memref<2x20x1000xf32, #tpu.memory_space<vmem>>[vector<16xi32>, vector<16xi32>, vector<16xi32>], vector<16xf32>, vector<16xi1>
    %add3A_341 = arith.constant 18 : i32
    %add3A_342 = arith.addi %mul3A_4, %add3A_341 : i32
    %dma_start3A_343 = arith.constant 0 : i32
    %dma_start3A_344 = arith.constant 0 : i32
    %dma_start3A_345 = tpu.memref_slice %arg4[%add3A_342, %dma_start3A_343, %dma_start3A_344] : memref<1024x20x1000xf32, #tpu.memory_space<hbm>> -> memref<2x20x1000xf32, #tpu.memory_space<hbm>>
    %dma_start3A_346 = arith.constant 0 : i32
    %dma_start3A_347 = arith.constant 0 : i32
    %dma_start3A_348 = tpu.memref_slice %arg4[%add3A_342, %dma_start3A_346, %dma_start3A_347] : memref<1024x20x1000xf32, #tpu.memory_space<hbm>> -> memref<2x20x1000xf32, #tpu.memory_space<hbm>>
    tpu.enqueue_dma source(%arg7 : memref<2x20x1000xf32, #tpu.memory_space<vmem>>) target(%dma_start3A_348 : memref<2x20x1000xf32, #tpu.memory_space<hbm>>) target_semaphore(%arg9 : memref<!tpu.dma_semaphore, #tpu.memory_space<semaphore_mem>>)
    %dma_wait3A_349 = arith.constant 0 : i32
    %dma_wait3A_350 = arith.constant 0 : i32
    %dma_wait3A_351 = tpu.memref_slice %arg4[%add3A_316, %dma_wait3A_349, %dma_wait3A_350] : memref<1024x20x1000xf32, #tpu.memory_space<hbm>> -> memref<2x20x1000xf32, #tpu.memory_space<hbm>>
    %dma_wait3A_352 = arith.constant 0 : i32
    %dma_wait3A_353 = arith.constant 0 : i32
    %dma_wait3A_354 = tpu.memref_slice %arg4[%add3A_316, %dma_wait3A_352, %dma_wait3A_353] : memref<1024x20x1000xf32, #tpu.memory_space<hbm>> -> memref<2x20x1000xf32, #tpu.memory_space<hbm>>
    tpu.wait_dma2 semaphore(%arg8 : memref<!tpu.dma_semaphore, #tpu.memory_space<semaphore_mem>>) src(%arg6 : memref<2x20x1000xf32, #tpu.memory_space<vmem>>) dst(%dma_wait3A_354 : memref<2x20x1000xf32, #tpu.memory_space<hbm>>)
    %get3A_355 = arith.constant 320 : index
    %get3A_356 = tpu.vector_load %arg5[%get3A_355] {strides = array<i32>} : memref<656xi32, #tpu.memory_space<vmem>>, vector<16xi32>,
    tpu.vector_store_idx %arg6[%select_n3A, %sub3A_37, %get3A_356], %broadcast_in_dim3A_7 : memref<2x20x1000xf32, #tpu.memory_space<vmem>>[vector<16xi32>, vector<16xi32>, vector<16xi32>], vector<16xf32>,
    %get3A_357 = arith.constant 336 : index
    %get3A_358 = tpu.vector_load %arg5[%get3A_357] {strides = array<i32>} : memref<656xi32, #tpu.memory_space<vmem>>, vector<16xi32>,
    tpu.vector_store_idx %arg6[%select_n3A_71, %sub3A_75, %get3A_358], %broadcast_in_dim3A_7 : memref<2x20x1000xf32, #tpu.memory_space<vmem>>[vector<16xi32>, vector<16xi32>, vector<16xi32>], vector<16xf32>,
    %get3A_359 = arith.constant 352 : index
    %get3A_360 = tpu.vector_load %arg5[%get3A_359] {strides = array<i32>} : memref<656xi32, #tpu.memory_space<vmem>>, vector<16xi32>,
    tpu.vector_store_idx %arg6[%select_n3A_109, %sub3A_113, %get3A_360], %broadcast_in_dim3A_7 masked %lt3A_115 : memref<2x20x1000xf32, #tpu.memory_space<vmem>>[vector<16xi32>, vector<16xi32>, vector<16xi32>], vector<16xf32>, vector<16xi1>
    %get3A_361 = arith.constant 400 : index
    %get3A_362 = tpu.vector_load %arg5[%get3A_361] {strides = array<i32>} : memref<656xi32, #tpu.memory_space<vmem>>, vector<16xi32>,
    tpu.vector_store_idx %arg6[%select_n3A, %sub3A_37, %get3A_362], %broadcast_in_dim3A_5 : memref<2x20x1000xf32, #tpu.memory_space<vmem>>[vector<16xi32>, vector<16xi32>, vector<16xi32>], vector<16xf32>,
    %get3A_363 = arith.constant 416 : index
    %get3A_364 = tpu.vector_load %arg5[%get3A_363] {strides = array<i32>} : memref<656xi32, #tpu.memory_space<vmem>>, vector<16xi32>,
    tpu.vector_store_idx %arg6[%select_n3A_71, %sub3A_75, %get3A_364], %broadcast_in_dim3A_5 : memref<2x20x1000xf32, #tpu.memory_space<vmem>>[vector<16xi32>, vector<16xi32>, vector<16xi32>], vector<16xf32>,
    %get3A_365 = arith.constant 432 : index
    %get3A_366 = tpu.vector_load %arg5[%get3A_365] {strides = array<i32>} : memref<656xi32, #tpu.memory_space<vmem>>, vector<16xi32>,
    tpu.vector_store_idx %arg6[%select_n3A_109, %sub3A_113, %get3A_366], %broadcast_in_dim3A_5 masked %lt3A_115 : memref<2x20x1000xf32, #tpu.memory_space<vmem>>[vector<16xi32>, vector<16xi32>, vector<16xi32>], vector<16xf32>, vector<16xi1>
    %add3A_367 = arith.constant 20 : i32
    %add3A_368 = arith.addi %mul3A_4, %add3A_367 : i32
    %dma_start3A_369 = arith.constant 0 : i32
    %dma_start3A_370 = arith.constant 0 : i32
    %dma_start3A_371 = tpu.memref_slice %arg4[%add3A_368, %dma_start3A_369, %dma_start3A_370] : memref<1024x20x1000xf32, #tpu.memory_space<hbm>> -> memref<2x20x1000xf32, #tpu.memory_space<hbm>>
    %dma_start3A_372 = arith.constant 0 : i32
    %dma_start3A_373 = arith.constant 0 : i32
    %dma_start3A_374 = tpu.memref_slice %arg4[%add3A_368, %dma_start3A_372, %dma_start3A_373] : memref<1024x20x1000xf32, #tpu.memory_space<hbm>> -> memref<2x20x1000xf32, #tpu.memory_space<hbm>>
    tpu.enqueue_dma source(%arg6 : memref<2x20x1000xf32, #tpu.memory_space<vmem>>) target(%dma_start3A_374 : memref<2x20x1000xf32, #tpu.memory_space<hbm>>) target_semaphore(%arg8 : memref<!tpu.dma_semaphore, #tpu.memory_space<semaphore_mem>>)
    %dma_wait3A_375 = arith.constant 0 : i32
    %dma_wait3A_376 = arith.constant 0 : i32
    %dma_wait3A_377 = tpu.memref_slice %arg4[%add3A_342, %dma_wait3A_375, %dma_wait3A_376] : memref<1024x20x1000xf32, #tpu.memory_space<hbm>> -> memref<2x20x1000xf32, #tpu.memory_space<hbm>>
    %dma_wait3A_378 = arith.constant 0 : i32
    %dma_wait3A_379 = arith.constant 0 : i32
    %dma_wait3A_380 = tpu.memref_slice %arg4[%add3A_342, %dma_wait3A_378, %dma_wait3A_379] : memref<1024x20x1000xf32, #tpu.memory_space<hbm>> -> memref<2x20x1000xf32, #tpu.memory_space<hbm>>
    tpu.wait_dma2 semaphore(%arg9 : memref<!tpu.dma_semaphore, #tpu.memory_space<semaphore_mem>>) src(%arg7 : memref<2x20x1000xf32, #tpu.memory_space<vmem>>) dst(%dma_wait3A_380 : memref<2x20x1000xf32, #tpu.memory_space<hbm>>)
    %get3A_381 = arith.constant 360 : index
    %get3A_382 = tpu.vector_load %arg5[%get3A_381] {strides = array<i32>} : memref<656xi32, #tpu.memory_space<vmem>>, vector<16xi32>,
    tpu.vector_store_idx %arg7[%select_n3A, %sub3A_37, %get3A_382], %broadcast_in_dim3A_7 : memref<2x20x1000xf32, #tpu.memory_space<vmem>>[vector<16xi32>, vector<16xi32>, vector<16xi32>], vector<16xf32>,
    %get3A_383 = arith.constant 376 : index
    %get3A_384 = tpu.vector_load %arg5[%get3A_383] {strides = array<i32>} : memref<656xi32, #tpu.memory_space<vmem>>, vector<16xi32>,
    tpu.vector_store_idx %arg7[%select_n3A_71, %sub3A_75, %get3A_384], %broadcast_in_dim3A_7 : memref<2x20x1000xf32, #tpu.memory_space<vmem>>[vector<16xi32>, vector<16xi32>, vector<16xi32>], vector<16xf32>,
    %get3A_385 = arith.constant 392 : index
    %get3A_386 = tpu.vector_load %arg5[%get3A_385] {strides = array<i32>} : memref<656xi32, #tpu.memory_space<vmem>>, vector<16xi32>,
    tpu.vector_store_idx %arg7[%select_n3A_109, %sub3A_113, %get3A_386], %broadcast_in_dim3A_7 masked %lt3A_115 : memref<2x20x1000xf32, #tpu.memory_space<vmem>>[vector<16xi32>, vector<16xi32>, vector<16xi32>], vector<16xf32>, vector<16xi1>
    %get3A_387 = arith.constant 440 : index
    %get3A_388 = tpu.vector_load %arg5[%get3A_387] {strides = array<i32>} : memref<656xi32, #tpu.memory_space<vmem>>, vector<16xi32>,
    tpu.vector_store_idx %arg7[%select_n3A, %sub3A_37, %get3A_388], %broadcast_in_dim3A_5 : memref<2x20x1000xf32, #tpu.memory_space<vmem>>[vector<16xi32>, vector<16xi32>, vector<16xi32>], vector<16xf32>,
    %get3A_389 = arith.constant 456 : index
    %get3A_390 = tpu.vector_load %arg5[%get3A_389] {strides = array<i32>} : memref<656xi32, #tpu.memory_space<vmem>>, vector<16xi32>,
    tpu.vector_store_idx %arg7[%select_n3A_71, %sub3A_75, %get3A_390], %broadcast_in_dim3A_5 : memref<2x20x1000xf32, #tpu.memory_space<vmem>>[vector<16xi32>, vector<16xi32>, vector<16xi32>], vector<16xf32>,
    %get3A_391 = arith.constant 472 : index
    %get3A_392 = tpu.vector_load %arg5[%get3A_391] {strides = array<i32>} : memref<656xi32, #tpu.memory_space<vmem>>, vector<16xi32>,
    tpu.vector_store_idx %arg7[%select_n3A_109, %sub3A_113, %get3A_392], %broadcast_in_dim3A_5 masked %lt3A_115 : memref<2x20x1000xf32, #tpu.memory_space<vmem>>[vector<16xi32>, vector<16xi32>, vector<16xi32>], vector<16xf32>, vector<16xi1>
    %add3A_393 = arith.constant 22 : i32
    %add3A_394 = arith.addi %mul3A_4, %add3A_393 : i32
    %dma_start3A_395 = arith.constant 0 : i32
    %dma_start3A_396 = arith.constant 0 : i32
    %dma_start3A_397 = tpu.memref_slice %arg4[%add3A_394, %dma_start3A_395, %dma_start3A_396] : memref<1024x20x1000xf32, #tpu.memory_space<hbm>> -> memref<2x20x1000xf32, #tpu.memory_space<hbm>>
    %dma_start3A_398 = arith.constant 0 : i32
    %dma_start3A_399 = arith.constant 0 : i32
    %dma_start3A_400 = tpu.memref_slice %arg4[%add3A_394, %dma_start3A_398, %dma_start3A_399] : memref<1024x20x1000xf32, #tpu.memory_space<hbm>> -> memref<2x20x1000xf32, #tpu.memory_space<hbm>>
    tpu.enqueue_dma source(%arg7 : memref<2x20x1000xf32, #tpu.memory_space<vmem>>) target(%dma_start3A_400 : memref<2x20x1000xf32, #tpu.memory_space<hbm>>) target_semaphore(%arg9 : memref<!tpu.dma_semaphore, #tpu.memory_space<semaphore_mem>>)
    %dma_wait3A_401 = arith.constant 0 : i32
    %dma_wait3A_402 = arith.constant 0 : i32
    %dma_wait3A_403 = tpu.memref_slice %arg4[%add3A_368, %dma_wait3A_401, %dma_wait3A_402] : memref<1024x20x1000xf32, #tpu.memory_space<hbm>> -> memref<2x20x1000xf32, #tpu.memory_space<hbm>>
    %dma_wait3A_404 = arith.constant 0 : i32
    %dma_wait3A_405 = arith.constant 0 : i32
    %dma_wait3A_406 = tpu.memref_slice %arg4[%add3A_368, %dma_wait3A_404, %dma_wait3A_405] : memref<1024x20x1000xf32, #tpu.memory_space<hbm>> -> memref<2x20x1000xf32, #tpu.memory_space<hbm>>
    tpu.wait_dma2 semaphore(%arg8 : memref<!tpu.dma_semaphore, #tpu.memory_space<semaphore_mem>>) src(%arg6 : memref<2x20x1000xf32, #tpu.memory_space<vmem>>) dst(%dma_wait3A_406 : memref<2x20x1000xf32, #tpu.memory_space<hbm>>)
    %get3A_407 = arith.constant 400 : index
    %get3A_408 = tpu.vector_load %arg5[%get3A_407] {strides = array<i32>} : memref<656xi32, #tpu.memory_space<vmem>>, vector<16xi32>,
    tpu.vector_store_idx %arg6[%select_n3A, %sub3A_37, %get3A_408], %broadcast_in_dim3A_7 : memref<2x20x1000xf32, #tpu.memory_space<vmem>>[vector<16xi32>, vector<16xi32>, vector<16xi32>], vector<16xf32>,
    %get3A_409 = arith.constant 416 : index
    %get3A_410 = tpu.vector_load %arg5[%get3A_409] {strides = array<i32>} : memref<656xi32, #tpu.memory_space<vmem>>, vector<16xi32>,
    tpu.vector_store_idx %arg6[%select_n3A_71, %sub3A_75, %get3A_410], %broadcast_in_dim3A_7 : memref<2x20x1000xf32, #tpu.memory_space<vmem>>[vector<16xi32>, vector<16xi32>, vector<16xi32>], vector<16xf32>,
    %get3A_411 = arith.constant 432 : index
    %get3A_412 = tpu.vector_load %arg5[%get3A_411] {strides = array<i32>} : memref<656xi32, #tpu.memory_space<vmem>>, vector<16xi32>,
    tpu.vector_store_idx %arg6[%select_n3A_109, %sub3A_113, %get3A_412], %broadcast_in_dim3A_7 masked %lt3A_115 : memref<2x20x1000xf32, #tpu.memory_space<vmem>>[vector<16xi32>, vector<16xi32>, vector<16xi32>], vector<16xf32>, vector<16xi1>
    %get3A_413 = arith.constant 480 : index
    %get3A_414 = tpu.vector_load %arg5[%get3A_413] {strides = array<i32>} : memref<656xi32, #tpu.memory_space<vmem>>, vector<16xi32>,
    tpu.vector_store_idx %arg6[%select_n3A, %sub3A_37, %get3A_414], %broadcast_in_dim3A_5 : memref<2x20x1000xf32, #tpu.memory_space<vmem>>[vector<16xi32>, vector<16xi32>, vector<16xi32>], vector<16xf32>,
    %get3A_415 = arith.constant 496 : index
    %get3A_416 = tpu.vector_load %arg5[%get3A_415] {strides = array<i32>} : memref<656xi32, #tpu.memory_space<vmem>>, vector<16xi32>,
    tpu.vector_store_idx %arg6[%select_n3A_71, %sub3A_75, %get3A_416], %broadcast_in_dim3A_5 : memref<2x20x1000xf32, #tpu.memory_space<vmem>>[vector<16xi32>, vector<16xi32>, vector<16xi32>], vector<16xf32>,
    %get3A_417 = arith.constant 512 : index
    %get3A_418 = tpu.vector_load %arg5[%get3A_417] {strides = array<i32>} : memref<656xi32, #tpu.memory_space<vmem>>, vector<16xi32>,
    tpu.vector_store_idx %arg6[%select_n3A_109, %sub3A_113, %get3A_418], %broadcast_in_dim3A_5 masked %lt3A_115 : memref<2x20x1000xf32, #tpu.memory_space<vmem>>[vector<16xi32>, vector<16xi32>, vector<16xi32>], vector<16xf32>, vector<16xi1>
    %add3A_419 = arith.constant 24 : i32
    %add3A_420 = arith.addi %mul3A_4, %add3A_419 : i32
    %dma_start3A_421 = arith.constant 0 : i32
    %dma_start3A_422 = arith.constant 0 : i32
    %dma_start3A_423 = tpu.memref_slice %arg4[%add3A_420, %dma_start3A_421, %dma_start3A_422] : memref<1024x20x1000xf32, #tpu.memory_space<hbm>> -> memref<2x20x1000xf32, #tpu.memory_space<hbm>>
    %dma_start3A_424 = arith.constant 0 : i32
    %dma_start3A_425 = arith.constant 0 : i32
    %dma_start3A_426 = tpu.memref_slice %arg4[%add3A_420, %dma_start3A_424, %dma_start3A_425] : memref<1024x20x1000xf32, #tpu.memory_space<hbm>> -> memref<2x20x1000xf32, #tpu.memory_space<hbm>>
    tpu.enqueue_dma source(%arg6 : memref<2x20x1000xf32, #tpu.memory_space<vmem>>) target(%dma_start3A_426 : memref<2x20x1000xf32, #tpu.memory_space<hbm>>) target_semaphore(%arg8 : memref<!tpu.dma_semaphore, #tpu.memory_space<semaphore_mem>>)
    %dma_wait3A_427 = arith.constant 0 : i32
    %dma_wait3A_428 = arith.constant 0 : i32
    %dma_wait3A_429 = tpu.memref_slice %arg4[%add3A_394, %dma_wait3A_427, %dma_wait3A_428] : memref<1024x20x1000xf32, #tpu.memory_space<hbm>> -> memref<2x20x1000xf32, #tpu.memory_space<hbm>>
    %dma_wait3A_430 = arith.constant 0 : i32
    %dma_wait3A_431 = arith.constant 0 : i32
    %dma_wait3A_432 = tpu.memref_slice %arg4[%add3A_394, %dma_wait3A_430, %dma_wait3A_431] : memref<1024x20x1000xf32, #tpu.memory_space<hbm>> -> memref<2x20x1000xf32, #tpu.memory_space<hbm>>
    tpu.wait_dma2 semaphore(%arg9 : memref<!tpu.dma_semaphore, #tpu.memory_space<semaphore_mem>>) src(%arg7 : memref<2x20x1000xf32, #tpu.memory_space<vmem>>) dst(%dma_wait3A_432 : memref<2x20x1000xf32, #tpu.memory_space<hbm>>)
    %get3A_433 = arith.constant 440 : index
    %get3A_434 = tpu.vector_load %arg5[%get3A_433] {strides = array<i32>} : memref<656xi32, #tpu.memory_space<vmem>>, vector<16xi32>,
    tpu.vector_store_idx %arg7[%select_n3A, %sub3A_37, %get3A_434], %broadcast_in_dim3A_7 : memref<2x20x1000xf32, #tpu.memory_space<vmem>>[vector<16xi32>, vector<16xi32>, vector<16xi32>], vector<16xf32>,
    %get3A_435 = arith.constant 456 : index
    %get3A_436 = tpu.vector_load %arg5[%get3A_435] {strides = array<i32>} : memref<656xi32, #tpu.memory_space<vmem>>, vector<16xi32>,
    tpu.vector_store_idx %arg7[%select_n3A_71, %sub3A_75, %get3A_436], %broadcast_in_dim3A_7 : memref<2x20x1000xf32, #tpu.memory_space<vmem>>[vector<16xi32>, vector<16xi32>, vector<16xi32>], vector<16xf32>,
    %get3A_437 = arith.constant 472 : index
    %get3A_438 = tpu.vector_load %arg5[%get3A_437] {strides = array<i32>} : memref<656xi32, #tpu.memory_space<vmem>>, vector<16xi32>,
    tpu.vector_store_idx %arg7[%select_n3A_109, %sub3A_113, %get3A_438], %broadcast_in_dim3A_7 masked %lt3A_115 : memref<2x20x1000xf32, #tpu.memory_space<vmem>>[vector<16xi32>, vector<16xi32>, vector<16xi32>], vector<16xf32>, vector<16xi1>
    %get3A_439 = arith.constant 520 : index
    %get3A_440 = tpu.vector_load %arg5[%get3A_439] {strides = array<i32>} : memref<656xi32, #tpu.memory_space<vmem>>, vector<16xi32>,
    tpu.vector_store_idx %arg7[%select_n3A, %sub3A_37, %get3A_440], %broadcast_in_dim3A_5 : memref<2x20x1000xf32, #tpu.memory_space<vmem>>[vector<16xi32>, vector<16xi32>, vector<16xi32>], vector<16xf32>,
    %get3A_441 = arith.constant 536 : index
    %get3A_442 = tpu.vector_load %arg5[%get3A_441] {strides = array<i32>} : memref<656xi32, #tpu.memory_space<vmem>>, vector<16xi32>,
    tpu.vector_store_idx %arg7[%select_n3A_71, %sub3A_75, %get3A_442], %broadcast_in_dim3A_5 : memref<2x20x1000xf32, #tpu.memory_space<vmem>>[vector<16xi32>, vector<16xi32>, vector<16xi32>], vector<16xf32>,
    %get3A_443 = arith.constant 552 : index
    %get3A_444 = tpu.vector_load %arg5[%get3A_443] {strides = array<i32>} : memref<656xi32, #tpu.memory_space<vmem>>, vector<16xi32>,
    tpu.vector_store_idx %arg7[%select_n3A_109, %sub3A_113, %get3A_444], %broadcast_in_dim3A_5 masked %lt3A_115 : memref<2x20x1000xf32, #tpu.memory_space<vmem>>[vector<16xi32>, vector<16xi32>, vector<16xi32>], vector<16xf32>, vector<16xi1>
    %add3A_445 = arith.constant 26 : i32
    %add3A_446 = arith.addi %mul3A_4, %add3A_445 : i32
    %dma_start3A_447 = arith.constant 0 : i32
    %dma_start3A_448 = arith.constant 0 : i32
    %dma_start3A_449 = tpu.memref_slice %arg4[%add3A_446, %dma_start3A_447, %dma_start3A_448] : memref<1024x20x1000xf32, #tpu.memory_space<hbm>> -> memref<2x20x1000xf32, #tpu.memory_space<hbm>>
    %dma_start3A_450 = arith.constant 0 : i32
    %dma_start3A_451 = arith.constant 0 : i32
    %dma_start3A_452 = tpu.memref_slice %arg4[%add3A_446, %dma_start3A_450, %dma_start3A_451] : memref<1024x20x1000xf32, #tpu.memory_space<hbm>> -> memref<2x20x1000xf32, #tpu.memory_space<hbm>>
    tpu.enqueue_dma source(%arg7 : memref<2x20x1000xf32, #tpu.memory_space<vmem>>) target(%dma_start3A_452 : memref<2x20x1000xf32, #tpu.memory_space<hbm>>) target_semaphore(%arg9 : memref<!tpu.dma_semaphore, #tpu.memory_space<semaphore_mem>>)
    %dma_wait3A_453 = arith.constant 0 : i32
    %dma_wait3A_454 = arith.constant 0 : i32
    %dma_wait3A_455 = tpu.memref_slice %arg4[%add3A_420, %dma_wait3A_453, %dma_wait3A_454] : memref<1024x20x1000xf32, #tpu.memory_space<hbm>> -> memref<2x20x1000xf32, #tpu.memory_space<hbm>>
    %dma_wait3A_456 = arith.constant 0 : i32
    %dma_wait3A_457 = arith.constant 0 : i32
    %dma_wait3A_458 = tpu.memref_slice %arg4[%add3A_420, %dma_wait3A_456, %dma_wait3A_457] : memref<1024x20x1000xf32, #tpu.memory_space<hbm>> -> memref<2x20x1000xf32, #tpu.memory_space<hbm>>
    tpu.wait_dma2 semaphore(%arg8 : memref<!tpu.dma_semaphore, #tpu.memory_space<semaphore_mem>>) src(%arg6 : memref<2x20x1000xf32, #tpu.memory_space<vmem>>) dst(%dma_wait3A_458 : memref<2x20x1000xf32, #tpu.memory_space<hbm>>)
    %get3A_459 = arith.constant 480 : index
    %get3A_460 = tpu.vector_load %arg5[%get3A_459] {strides = array<i32>} : memref<656xi32, #tpu.memory_space<vmem>>, vector<16xi32>,
    tpu.vector_store_idx %arg6[%select_n3A, %sub3A_37, %get3A_460], %broadcast_in_dim3A_7 : memref<2x20x1000xf32, #tpu.memory_space<vmem>>[vector<16xi32>, vector<16xi32>, vector<16xi32>], vector<16xf32>,
    %get3A_461 = arith.constant 496 : index
    %get3A_462 = tpu.vector_load %arg5[%get3A_461] {strides = array<i32>} : memref<656xi32, #tpu.memory_space<vmem>>, vector<16xi32>,
    tpu.vector_store_idx %arg6[%select_n3A_71, %sub3A_75, %get3A_462], %broadcast_in_dim3A_7 : memref<2x20x1000xf32, #tpu.memory_space<vmem>>[vector<16xi32>, vector<16xi32>, vector<16xi32>], vector<16xf32>,
    %get3A_463 = arith.constant 512 : index
    %get3A_464 = tpu.vector_load %arg5[%get3A_463] {strides = array<i32>} : memref<656xi32, #tpu.memory_space<vmem>>, vector<16xi32>,
    tpu.vector_store_idx %arg6[%select_n3A_109, %sub3A_113, %get3A_464], %broadcast_in_dim3A_7 masked %lt3A_115 : memref<2x20x1000xf32, #tpu.memory_space<vmem>>[vector<16xi32>, vector<16xi32>, vector<16xi32>], vector<16xf32>, vector<16xi1>
    %get3A_465 = arith.constant 560 : index
    %get3A_466 = tpu.vector_load %arg5[%get3A_465] {strides = array<i32>} : memref<656xi32, #tpu.memory_space<vmem>>, vector<16xi32>,
    tpu.vector_store_idx %arg6[%select_n3A, %sub3A_37, %get3A_466], %broadcast_in_dim3A_5 : memref<2x20x1000xf32, #tpu.memory_space<vmem>>[vector<16xi32>, vector<16xi32>, vector<16xi32>], vector<16xf32>,
    %get3A_467 = arith.constant 576 : index
    %get3A_468 = tpu.vector_load %arg5[%get3A_467] {strides = array<i32>} : memref<656xi32, #tpu.memory_space<vmem>>, vector<16xi32>,
    tpu.vector_store_idx %arg6[%select_n3A_71, %sub3A_75, %get3A_468], %broadcast_in_dim3A_5 : memref<2x20x1000xf32, #tpu.memory_space<vmem>>[vector<16xi32>, vector<16xi32>, vector<16xi32>], vector<16xf32>,
    %get3A_469 = arith.constant 592 : index
    %get3A_470 = tpu.vector_load %arg5[%get3A_469] {strides = array<i32>} : memref<656xi32, #tpu.memory_space<vmem>>, vector<16xi32>,
    tpu.vector_store_idx %arg6[%select_n3A_109, %sub3A_113, %get3A_470], %broadcast_in_dim3A_5 masked %lt3A_115 : memref<2x20x1000xf32, #tpu.memory_space<vmem>>[vector<16xi32>, vector<16xi32>, vector<16xi32>], vector<16xf32>, vector<16xi1>
    %add3A_471 = arith.constant 28 : i32
    %add3A_472 = arith.addi %mul3A_4, %add3A_471 : i32
    %dma_start3A_473 = arith.constant 0 : i32
    %dma_start3A_474 = arith.constant 0 : i32
    %dma_start3A_475 = tpu.memref_slice %arg4[%add3A_472, %dma_start3A_473, %dma_start3A_474] : memref<1024x20x1000xf32, #tpu.memory_space<hbm>> -> memref<2x20x1000xf32, #tpu.memory_space<hbm>>
    %dma_start3A_476 = arith.constant 0 : i32
    %dma_start3A_477 = arith.constant 0 : i32
    %dma_start3A_478 = tpu.memref_slice %arg4[%add3A_472, %dma_start3A_476, %dma_start3A_477] : memref<1024x20x1000xf32, #tpu.memory_space<hbm>> -> memref<2x20x1000xf32, #tpu.memory_space<hbm>>
    tpu.enqueue_dma source(%arg6 : memref<2x20x1000xf32, #tpu.memory_space<vmem>>) target(%dma_start3A_478 : memref<2x20x1000xf32, #tpu.memory_space<hbm>>) target_semaphore(%arg8 : memref<!tpu.dma_semaphore, #tpu.memory_space<semaphore_mem>>)
    %dma_wait3A_479 = arith.constant 0 : i32
    %dma_wait3A_480 = arith.constant 0 : i32
    %dma_wait3A_481 = tpu.memref_slice %arg4[%add3A_446, %dma_wait3A_479, %dma_wait3A_480] : memref<1024x20x1000xf32, #tpu.memory_space<hbm>> -> memref<2x20x1000xf32, #tpu.memory_space<hbm>>
    %dma_wait3A_482 = arith.constant 0 : i32
    %dma_wait3A_483 = arith.constant 0 : i32
    %dma_wait3A_484 = tpu.memref_slice %arg4[%add3A_446, %dma_wait3A_482, %dma_wait3A_483] : memref<1024x20x1000xf32, #tpu.memory_space<hbm>> -> memref<2x20x1000xf32, #tpu.memory_space<hbm>>
    tpu.wait_dma2 semaphore(%arg9 : memref<!tpu.dma_semaphore, #tpu.memory_space<semaphore_mem>>) src(%arg7 : memref<2x20x1000xf32, #tpu.memory_space<vmem>>) dst(%dma_wait3A_484 : memref<2x20x1000xf32, #tpu.memory_space<hbm>>)
    %get3A_485 = arith.constant 520 : index
    %get3A_486 = tpu.vector_load %arg5[%get3A_485] {strides = array<i32>} : memref<656xi32, #tpu.memory_space<vmem>>, vector<16xi32>,
    tpu.vector_store_idx %arg7[%select_n3A, %sub3A_37, %get3A_486], %broadcast_in_dim3A_7 : memref<2x20x1000xf32, #tpu.memory_space<vmem>>[vector<16xi32>, vector<16xi32>, vector<16xi32>], vector<16xf32>,
    %get3A_487 = arith.constant 536 : index
    %get3A_488 = tpu.vector_load %arg5[%get3A_487] {strides = array<i32>} : memref<656xi32, #tpu.memory_space<vmem>>, vector<16xi32>,
    tpu.vector_store_idx %arg7[%select_n3A_71, %sub3A_75, %get3A_488], %broadcast_in_dim3A_7 : memref<2x20x1000xf32, #tpu.memory_space<vmem>>[vector<16xi32>, vector<16xi32>, vector<16xi32>], vector<16xf32>,
    %get3A_489 = arith.constant 552 : index
    %get3A_490 = tpu.vector_load %arg5[%get3A_489] {strides = array<i32>} : memref<656xi32, #tpu.memory_space<vmem>>, vector<16xi32>,
    tpu.vector_store_idx %arg7[%select_n3A_109, %sub3A_113, %get3A_490], %broadcast_in_dim3A_7 masked %lt3A_115 : memref<2x20x1000xf32, #tpu.memory_space<vmem>>[vector<16xi32>, vector<16xi32>, vector<16xi32>], vector<16xf32>, vector<16xi1>
    %get3A_491 = arith.constant 600 : index
    %get3A_492 = tpu.vector_load %arg5[%get3A_491] {strides = array<i32>} : memref<656xi32, #tpu.memory_space<vmem>>, vector<16xi32>,
    tpu.vector_store_idx %arg7[%select_n3A, %sub3A_37, %get3A_492], %broadcast_in_dim3A_5 : memref<2x20x1000xf32, #tpu.memory_space<vmem>>[vector<16xi32>, vector<16xi32>, vector<16xi32>], vector<16xf32>,
    %get3A_493 = arith.constant 616 : index
    %get3A_494 = tpu.vector_load %arg5[%get3A_493] {strides = array<i32>} : memref<656xi32, #tpu.memory_space<vmem>>, vector<16xi32>,
    tpu.vector_store_idx %arg7[%select_n3A_71, %sub3A_75, %get3A_494], %broadcast_in_dim3A_5 : memref<2x20x1000xf32, #tpu.memory_space<vmem>>[vector<16xi32>, vector<16xi32>, vector<16xi32>], vector<16xf32>,
    %get3A_495 = arith.constant 632 : index
    %get3A_496 = tpu.vector_load %arg5[%get3A_495] {strides = array<i32>} : memref<656xi32, #tpu.memory_space<vmem>>, vector<16xi32>,
    tpu.vector_store_idx %arg7[%select_n3A_109, %sub3A_113, %get3A_496], %broadcast_in_dim3A_5 masked %lt3A_115 : memref<2x20x1000xf32, #tpu.memory_space<vmem>>[vector<16xi32>, vector<16xi32>, vector<16xi32>], vector<16xf32>, vector<16xi1>
    %add3A_497 = arith.constant 30 : i32
    %add3A_498 = arith.addi %mul3A_4, %add3A_497 : i32
    %dma_start3A_499 = arith.constant 0 : i32
    %dma_start3A_500 = arith.constant 0 : i32
    %dma_start3A_501 = tpu.memref_slice %arg4[%add3A_498, %dma_start3A_499, %dma_start3A_500] : memref<1024x20x1000xf32, #tpu.memory_space<hbm>> -> memref<2x20x1000xf32, #tpu.memory_space<hbm>>
    %dma_start3A_502 = arith.constant 0 : i32
    %dma_start3A_503 = arith.constant 0 : i32
    %dma_start3A_504 = tpu.memref_slice %arg4[%add3A_498, %dma_start3A_502, %dma_start3A_503] : memref<1024x20x1000xf32, #tpu.memory_space<hbm>> -> memref<2x20x1000xf32, #tpu.memory_space<hbm>>
    tpu.enqueue_dma source(%arg7 : memref<2x20x1000xf32, #tpu.memory_space<vmem>>) target(%dma_start3A_504 : memref<2x20x1000xf32, #tpu.memory_space<hbm>>) target_semaphore(%arg9 : memref<!tpu.dma_semaphore, #tpu.memory_space<semaphore_mem>>)
    %dma_wait3A_505 = arith.constant 0 : i32
    %dma_wait3A_506 = arith.constant 0 : i32
    %dma_wait3A_507 = tpu.memref_slice %arg4[%add3A_472, %dma_wait3A_505, %dma_wait3A_506] : memref<1024x20x1000xf32, #tpu.memory_space<hbm>> -> memref<2x20x1000xf32, #tpu.memory_space<hbm>>
    %dma_wait3A_508 = arith.constant 0 : i32
    %dma_wait3A_509 = arith.constant 0 : i32
    %dma_wait3A_510 = tpu.memref_slice %arg4[%add3A_472, %dma_wait3A_508, %dma_wait3A_509] : memref<1024x20x1000xf32, #tpu.memory_space<hbm>> -> memref<2x20x1000xf32, #tpu.memory_space<hbm>>
    tpu.wait_dma2 semaphore(%arg8 : memref<!tpu.dma_semaphore, #tpu.memory_space<semaphore_mem>>) src(%arg6 : memref<2x20x1000xf32, #tpu.memory_space<vmem>>) dst(%dma_wait3A_510 : memref<2x20x1000xf32, #tpu.memory_space<hbm>>)
    %dma_wait3A_511 = arith.constant 0 : i32
    %dma_wait3A_512 = arith.constant 0 : i32
    %dma_wait3A_513 = tpu.memref_slice %arg4[%add3A_498, %dma_wait3A_511, %dma_wait3A_512] : memref<1024x20x1000xf32, #tpu.memory_space<hbm>> -> memref<2x20x1000xf32, #tpu.memory_space<hbm>>
    %dma_wait3A_514 = arith.constant 0 : i32
    %dma_wait3A_515 = arith.constant 0 : i32
    %dma_wait3A_516 = tpu.memref_slice %arg4[%add3A_498, %dma_wait3A_514, %dma_wait3A_515] : memref<1024x20x1000xf32, #tpu.memory_space<hbm>> -> memref<2x20x1000xf32, #tpu.memory_space<hbm>>
    tpu.wait_dma2 semaphore(%arg9 : memref<!tpu.dma_semaphore, #tpu.memory_space<semaphore_mem>>) src(%arg7 : memref<2x20x1000xf32, #tpu.memory_space<vmem>>) dst(%dma_wait3A_516 : memref<2x20x1000xf32, #tpu.memory_space<hbm>>)
    return
  }
}

</mosaic_0001>

<sc_bundles>
// kernel: kernel.3.cloned.1.call-start
scs
__scs_entry_jumppad:
0x0: {  	(pc) =	sbr.rel $0x88, $3  }
0x1: {  	(tag) =	ssettag $0x0;
	lr =	simm.s32 $0x1  }
0x2: {  	[smem:$0x3FA0] =	sst lr;
	_ =	strace $0xD0000000  }
0x3: {  	_ = 	snop  }
0x4: {  	_ = 	snop  }
0x5: {  	_ = 	snop  }
0x6: {  	_ = 	snop  }
0x7: {  	_ = 	snop  }
__scs_overlays_trampoline_lowered:
0x8: {  	[smem:$0x3FAF] =	sst s0  }
0x9: {  	[smem:$0x3FB0] =	sst s1  }
0xa: {  	[smem:$0x3FB1] =	sst s2  }
0xb: {  	[smem:$0x3FB2] =	sst s3  }
0xc: {  	[smem:$0x3FB3] =	sst s4  }
0xd: {  	[smem:$0x3FB4] =	sst s5  }
0xe: {  	[smem:$0x3FB5] =	sst s6  }
0xf: {  	[smem:$0x3FB6] =	sst s7  }
0x10: {  	[smem:$0x3FB7] =	sst s8  }
0x11: {  	[smem:$0x3FB8] =	sst s9;
	s0 =	simm.s32 @!p0 $0x0  }
0x12: {  	s1 =	sld [smem:$0x3F9E];
	s0 =	simm.s32 @p0 $0x1  }
0x13: {  	[smem:$0x3FB9] =	sst s0;
	s0 =	simm.s32 @!p1 $0x0  }
0x14: {  	s2 =	sld [smem:$0x3F9D];
	s0 =	simm.s32 @p1 $0x1  }
0x15: {  	[smem:$0x3FBA] =	sst s0;
	s0 =	simm.s32 @!p2 $0x0  }
0x16: {  	s3 =	sld [smem:$0x3FDB];
	s0 =	simm.s32 @p2 $0x1  }
0x17: {  	s4 =	simm.s32 $0x1BF5;
	[smem:$0x3FBC] =	sst s0  }
0x18: {  	s0 =	sld [smem:$0x3F9F];
	_ =	swait.ge [sflag:s4], $0x0  }
0x19: {  	s7 =	sld [smem:$0x3FA0]  }
0x1a: {  	s8 =	sadd.s32 $0xFFFFE003, lr  }
0x1b: {  	s9 =	sadd.s32 $0xFFFFFEF7, lr;
	s5 =	simm.s32 $0xFFFFFFFF;
	p2 =	slt.u32 s8, $0xFFFFF086  }
0x1c: {  	p1 =	slt.u32 s9, $0xF7A;
	s5 =	simm.s32 @!p2 $0x0  }
0x1d: {  	s5 =	simm.s32 @p1 $0x1;
	p0 =	seq.s32 s7, s2  }
0x1e: {  	s7 =	smul.u32 @!p0 $0xF7A, s2;
	p2 =	seq.s32 @!p0 s5, $0x0  }
0x1f: {  	s9 =	smul.u32 $0xF7A, s1;
	s8 =	simm.s32 @!p0 $0x1BF5;
	p2 =	por !p2, p0  }
0x20: {  	[sflag:s8] =	ssyncset.s32 @!p0 $0xFFFFF086;
	s6 =	sadd.s32 @!p0 s3, s7;
	s7 =	simm.s32 @!p0 $0x108  }
0x21: {  	s3 =	sadd.s32 s3, s9;
	s6 =	sadd.s32 @!p0 $0x88, s6;
	s7 =	simm.s32 @p2 $0x1082  }
0x22: {  	[simem:s7], [sflag:s8] =	dma.local @!p0 [hbm:s6], $0xF7A  }
0x23: {  	s9 =	sor.u32 $0xD0000000, s2;
	s6 =	simm.s32 $0x108;
	_ =	swait.ge @!p0 [sflag:s8], $0x0  }
0x24: {  	s3 =	sadd.s32 $0x88, s3;
	s6 =	simm.s32 @!p1 $0x1082;
	[sflag:s4] =	ssyncset.s32 $0xFFFFF086  }
0x25: {  	[simem:s6], [sflag:s4] =	dma.local [hbm:s3], $0xF7A  }
0x26: {  	[smem:$0x3FA0] =	sst s1;
	(tag) =	ssettag s2;
	_ =	strace s9  }
0x27: {  	s1 =	sld [smem:$0x3FB0]  }
0x28: {  	s2 =	sld [smem:$0x3FB1]  }
0x29: {  	s4 =	sld [smem:$0x3FB3]  }
0x2a: {  	p0 =	seq.s32 s5, $0x0;
	s5 =	sld [smem:$0x3FB4]  }
0x2b: {  	s6 =	sld [smem:$0x3FB5]  }
0x2c: {  	s7 =	sld [smem:$0x3FB6]  }
0x2d: {  	s3 =	simm.s32 $0x108;
	s8 =	sld [smem:$0x3FB7]  }
0x2e: {  	s3 =	simm.s32 @!p0 $0x1082;
	s9 =	sld [smem:$0x3FB8]  }
0x2f: {  	lr =	sadd.s32 s0, s3;
	s0 =	sld [smem:$0x3FAF]  }
0x30: {  	s3 =	sld [smem:$0x3FB2]  }
0x31: {  	[smem:$0x3FBB] =	sst s10  }
0x32: {  	s10 =	sld [smem:$0x3FB9];
	_ =	sdelay $0x3  }
0x33: {  	p0 =	seq.s32 s10, $0x1;
	s10 =	sld [smem:$0x3FBB];
	_ =	sdelay $0x3  }
0x34: {  	[smem:$0x3FBB] =	sst s10  }
0x35: {  	s10 =	sld [smem:$0x3FBA];
	_ =	sdelay $0x3  }
0x36: {  	p1 =	seq.s32 s10, $0x1;
	s10 =	sld [smem:$0x3FBB];
	_ =	sdelay $0x3  }
0x37: {  	[smem:$0x3FBB] =	sst s10  }
0x38: {  	s10 =	sld [smem:$0x3FBC]  }
0x39: {  	_ = 	snop;
	(pc) =	sbr.ind lr, $3  }
0x3a: {  	_ = 	snop  }
0x3b: {  	_ = 	snop  }
0x3c: {  	p2 =	seq.s32 s10, $0x1;
	s10 =	sld [smem:$0x3FBB]  }
0x3d: {  	_ =	shalt  }
0x3e: {  	_ =	shalt  }
0x3f: {  	_ =	shalt  }
0x40: {  	_ =	shalt  }
0x41: {  	_ =	shalt  }
0x42: {  	_ =	shalt  }
0x43: {  	_ =	shalt  }
0x44: {  	_ =	shalt  }
0x45: {  	_ =	shalt  }
0x46: {  	_ =	shalt  }
0x47: {  	_ =	shalt  }
0x48: {  	_ =	shalt  }
0x49: {  	_ =	shalt  }
0x4a: {  	_ =	shalt  }
0x4b: {  	_ =	shalt  }
0x4c: {  	_ =	shalt  }
0x4d: {  	_ =	shalt  }
0x4e: {  	_ =	shalt  }
0x4f: {  	_ =	shalt  }
0x50: {  	_ =	shalt  }
0x51: {  	_ =	shalt  }
0x52: {  	_ =	shalt  }
0x53: {  	_ =	shalt  }
0x54: {  	_ =	shalt  }
0x55: {  	_ =	shalt  }
0x56: {  	_ =	shalt  }
0x57: {  	_ =	shalt  }
0x58: {  	_ =	shalt  }
0x59: {  	_ =	shalt  }
0x5a: {  	_ =	shalt  }
0x5b: {  	_ =	shalt  }
0x5c: {  	_ =	shalt  }
0x5d: {  	_ =	shalt  }
0x5e: {  	_ =	shalt  }
0x5f: {  	_ =	shalt  }
0x60: {  	_ =	shalt  }
0x61: {  	_ =	shalt  }
0x62: {  	_ =	shalt  }
0x63: {  	_ =	shalt  }
0x64: {  	_ =	shalt  }
0x65: {  	_ =	shalt  }
0x66: {  	_ =	shalt  }
0x67: {  	_ =	shalt  }
0x68: {  	_ =	shalt  }
0x69: {  	_ =	shalt  }
0x6a: {  	_ =	shalt  }
0x6b: {  	_ =	shalt  }
0x6c: {  	_ =	shalt  }
0x6d: {  	_ =	shalt  }
0x6e: {  	_ =	shalt  }
0x6f: {  	_ =	shalt  }
0x70: {  	_ =	shalt  }
0x71: {  	_ =	shalt  }
0x72: {  	_ =	shalt  }
0x73: {  	_ =	shalt  }
0x74: {  	_ =	shalt  }
0x75: {  	_ =	shalt  }
0x76: {  	_ =	shalt  }
0x77: {  	_ =	shalt  }
0x78: {  	_ =	shalt  }
0x79: {  	_ =	shalt  }
0x7a: {  	_ =	shalt  }
0x7b: {  	_ =	shalt  }
0x7c: {  	_ =	shalt  }
0x7d: {  	_ =	shalt  }
0x7e: {  	_ =	shalt  }
0x7f: {  	_ =	shalt  }
0x80: {  	_ =	shalt  }
0x81: {  	_ =	shalt  }
0x82: {  	_ =	shalt  }
0x83: {  	_ =	shalt  }
0x84: {  	_ =	shalt  }
0x85: {  	_ =	shalt  }
0x86: {  	_ =	shalt  }
0x87: {  	_ =	shalt  }
.Lfunc_end0:
.L_simem_size_0:
called_computation_lowered:
.L_overlay_start_0:
0x88: {  	s2 =	sld [smem:$0x3FD9]  }
0x89: {  	s3 =	sld [smem:$0x3FFE];
	_ =	sdelay $0x1  }
0x8a: {  	s1 =	srdreg.scid  }
0x8b: {  	s0 =	sand.u32 $0x1, s1  }
0x8c: {  	s17 =	sshll.u32 s0, $0xA;
	s2 =	sadd.s32 s3, s2  }
0x8d: {  	s2 =	sadd.s32 s2, s17  }
0x8e: {  	[smem:$0x3FC7] =	sst s2  }
0x8f: {  	_ = 	snop  }
0x90: {  	s2 =	sld [smem:$0x3FD0];
	(tm) =	ssettm $0x1  }
0x91: {  	s18 =	sld [smem:$0x3FFB];
	_ =	sdelay $0x3  }
0x92: {  	_ =	strace s18  }
0x93: {  	s3 =	sld [smem:$0x3FFC];
	_ =	sdelay $0x3  }
0x94: {  	_ =	strace s3  }
0x95: {  	s3 =	sld [smem:$0x3FFD];
	_ =	sdelay $0x3  }
0x96: {  	_ =	strace s3  }
0x97: {  	_ =	strace $0x8FFFFFFF  }
0x98: {  	s19 =	sld [smem:$0x3FDB];
	_ =	sdelay $0x1  }
0x99: {  	s4 =	simm.s32 $_scs_section_size  }
0x9a: {  	s5 =	simm.s32 $_size__tile_overlayer_lowered;
	s6 =	simm.s32 $_tile_overlayer_lowered  }
0x9b: {  	s22 =	simm.s32 $0x1BFF;
	s21 =	sshll.u32 s6, $0x1;
	s3 =	sadd.s32 s4, s19  }
0x9c: {  	s7 =	simm.s32 $0x0;
	s20 =	sshll.u32 s5, $0x1;
	s5 =	sadd.s32 s21, s3  }
0x9d: {  	[timem:s7], [sflag:s22] =	dma.local [hbm:s5], s20  }
0x9e: {  	_ =	swait.ge [sflag:s22], s20  }
0x9f: {  	s4 =	ssub.s32 $0x0, s20;
	[sflag:s22] =	ssyncset.done $0x0  }
0xa0: {  	[sflag:s22] =	ssyncadd.s32 s4;
	_ =	sdelay $0x1  }
0xa1: {  	s23 =	simm.s32 $0x1B8B  }
0xa2: {  	_ =	swait.ge [sflag:s23], $0x1  }
0xa3: {  	[sflag:s23] =	ssyncset.done $0x0  }
0xa4: {  	s25 =	simm.s32 $0x1B8E;
	s24 =	sld [smem:$0x3FFE];
	[sflag:s23] =	ssyncadd.s32 $0xFFFFFFFF  }
0xa5: {  	s26 =	simm.s32 $execute0_lowered;
	[smem:$0x3FD2] =	sst s25  }
0xa6: {  	s5 =	sshll.u32 s26, $0x1;
	_ =	strace $0x80000046;
	[dreg:$0x1] =	wrdreg $0xFFFFFFFF  }
0xa7: {  	s28 =	simm.s32 $_size_execute0_lowered;
	s3 =	sadd.s32 s3, s5;
	[dreg:$0x0] =	wrdreg $0x0  }
0xa8: {  	s5 =	sshll.u32 s28, $0x1;
	[dreg:$0x2] =	wrdreg s3  }
0xa9: {  	[dreg:$0x3] =	wrdreg s5  }
0xaa: {  	[dreg:$0x4] =	wrdreg $0xC0  }
0xab: {  	_ =	task [dreg:s7], $0x5FFFF  }
0xac: {  	[dreg:$0x1] =	wrdreg $0xFFFFFFFF  }
0xad: {  	[dreg:$0x0] =	wrdreg $0x60  }
0xae: {  	[dreg:$0x2] =	wrdreg s24  }
0xaf: {  	[dreg:$0x3] =	wrdreg s2  }
0xb0: {  	[dreg:$0x4] =	wrdreg $0x9  }
0xb1: {  	_ =	task.clear_ibuf [dreg:s7], $0x5FFFF;
	_ =	strace $0x90000046  }
0xb2: {  	s29 =	simm.s32 $0x9;
	_ =	strace $0x80000048  }
0xb3: {  	_ =	swait.ge [sflag:s29], $0x1  }
0xb4: {  	[sflag:s29] =	ssyncadd.s32 $0xFFFFFFFF  }
0xb5: {  	_ =	strace $0x90000048  }
0xb6: {  	_ =	sfence  }
0xb7: {  	s30 =	sld [smem:$0x0];
	_ =	sdelay $0x2  }
0xb8: {  	s31 =	sshll.u32 s1, $0xD;
	s1 =	sshrl.u32 s1, $0x2  }
0xb9: {  	s3 =	sand.u32 $0x4000, s31;
	s1 =	sadd.s32 s1, s30  }
0xba: {  	s0 =	sor.u32 s3, s0;
	s1 =	sshll.u32 s1, $0x11  }
0xbb: {  	s0 =	sor.u32 s1, s0  }
0xbc: {  	s0 =	sadd.s32 $0x8F2B, s0  }
0xbd: {  	[sflag:s0] =	ssyncadd.remote.s32 $0x1  }
0xbe: {  	_ =	sfence.sel $0xFFFF  }
0xbf: {  	[dreg:$0x0] =	wrdreg $0xFFFFFFFF;
	(pc) =	sbr.abs _section_cstart, $3  }
0xc0: {  	[dreg:$0x1] =	wrdreg $0xFFFFFFFF  }
0xc1: {  	_ =	task.clear_ibuf [dreg:s7], $0x2FFFF;
	_ =	strace $0x9FFFFFFF  }
0xc2: {  	(tm) =	ssettm $0x7FFFFFFF  }
0xc3: {  	_ =	shalt  }
tec
execute0_lowered:
.L_overlay_start_1:
0x0: {  	(tag) =	ssettag $0x1  }
0x1: {  	v0 =	vimm.s32 $0x2380;
	vm2 =	vcmask $0x300  }
0x2: {  	vm4 =	vcmask $0x704;
	vm8 =	vcmask $0xB08;
	vm7 =	vcmask $0xF0C  }
0x3: {  	vm6 =	vcmask $0x1310;
	vm5 =	vcmask $0x1714;
	vm3 =	vcmask $0x1B18  }
0x4: {  	vm1 =	vcmask $0x1F1C;
	vm0 =	vcmask $0x2320;
	v1 =	vimm.s32 $0x8180  }
0x5: {  	v2 =	vimm.s32 $0xC380;
	vm10 =	vcmask $0x2724;
	vm11 =	vcmask $0x2B28  }
0x6: {  	vm12 =	vcmask $0x2F2C;
	vm13 =	vcmask $0x3330;
	vm14 =	vcmask $0x3734  }
0x7: {  	vm15 =	vcmask $0x3B38;
	v0 =	vsel vm2, $0x0, v0;
	v1 =	vsel vm2, $0x4000, v1  }
0x8: {  	s4 =	rddreg [dreg:$0x0];
	s1 =	srdreg.scid;
	v2 =	vsel vm2, $0x8200, v2;
	v0 =	vsel vm4, $0x80, v0;
	v1 =	vsel vm4, $0x4080, v1  }
0x9: {  	s0 =	stileid.u32;
	s2 =	rddreg [dreg:$0x1];
	s3 =	simm.s32 $0x0;
	v2 =	vsel vm4, $0x8280, v2;
	v0 =	vsel vm8, $0x100, v0;
	v1 =	vsel vm8, $0x4100, v1  }
0xa: {  	s22 =	simm.s32 $0x3;
	s5 =	sand.u32 $0x1, s1;
	s6 =	sshll.u32 s0, $0x1;
	v2 =	vsel vm8, $0x8300, v2;
	v0 =	vsel vm7, $0x180, v0;
	v1 =	vsel vm7, $0x4180, v1  }
0xb: {  	s23 =	simm.s32 $0x300;
	s24 =	simm.s32 $0xC300;
	s6 =	sor.u32 s5, s6;
	v2 =	vsel vm7, $0x8380, v2;
	v0 =	vsel vm6, $0x200, v0;
	v1 =	vsel vm6, $0x6000, v1  }
0xc: {  	s25 =	simm.s32 $0x1;
	s26 =	simm.s32 $0x2;
	s7 =	smul.u32 $0x50, s6;
	v2 =	vsel vm6, $0xA000, v2;
	v0 =	vsel vm5, $0x280, v0;
	v1 =	vsel vm5, $0x6080, v1  }
0xd: {  	s1 =	rddreg [dreg:$0x2];
	s5 =	ssub.s32 $0x2, s5;
	s8 =	smul.u32 $0x18000, s6;
	v2 =	vsel vm5, $0xA080, v2;
	v0 =	vsel vm3, $0x300, v0;
	v1 =	vsel vm3, $0x6100, v1  }
0xe: {  	[smem:$0x7FF] =	sst s3;
	s10 =	sshrl.u32 s5, $0x1;
	s11 =	smul.u32 $0xC0000, s6;
	v2 =	vsel vm3, $0xA100, v2;
	v0 =	vsel vm1, $0x380, v0;
	v1 =	vsel vm1, $0x6180, v1  }
0xf: {  	s9 =	sadd.s32 $0xE00, s4;
	_ =	strace $0x80000047;
	s21 =	ssub.s32 s5, s10;
	v2 =	vsel vm1, $0xA180, v2;
	v0 =	vsel vm0, $0x2000, v0;
	v1 =	vsel vm0, $0x6200, v1  }
0x10: {  	s30 =	sadd.s32 s7, s4;
	s4 =	sadd.s32 s9, s8;
	s31 =	sshrl.u32 s11, $0x3;
	v2 =	vsel vm0, $0xC000, v2;
	v0 =	vsel vm10, $0x2080, v0;
	v1 =	vsel vm10, $0x6280, v1  }
0x11: {  	s21 =	smax.u32 s21, $0x1;
	s5 =	sadd.s32 $0x400, s30;
	s6 =	sadd.s32 $0x1800, s4;
	v2 =	vsel vm10, $0xC080, v2;
	v0 =	vsel vm11, $0x2100, v0;
	v1 =	vsel vm11, $0x6300, v1  }
0x12: {  	s7 =	sadd.s32 $0x3000, s4;
	s8 =	sadd.s32 $0x4800, s4;
	s20 =	sadd.s32 s9, s31;
	v2 =	vsel vm11, $0xC100, v2;
	v0 =	vsel vm12, $0x2180, v0;
	v1 =	vsel vm12, $0x6380, v1  }
0x13: {  	s9 =	sadd.s32 $0x6000, s4;
	s10 =	sadd.s32 $0x7800, s4;
	s11 =	sadd.s32 $0x9000, s20;
	v2 =	vsel vm12, $0xC180, v2;
	v0 =	vsel vm13, $0x2200, v0;
	v3 =	vsel vm13, $0x8000, v1  }
0x14: {  	s12 =	sadd.s32 $0xA800, s20;
	s13 =	sadd.s32 $0xC000, s20;
	s14 =	sadd.s32 $0xD800, s20;
	v2 =	vsel vm13, $0xC200, v2;
	v1 =	vimm.f32 $1.000000000e+00;
	v0 =	vsel vm14, $0x2280, v0  }
0x15: {  	s15 =	sadd.s32 $0xF000, s20;
	s16 =	sadd.s32 $0x10800, s20;
	s17 =	sadd.s32 $0x12000, s20;
	v3 =	vsel vm14, $0x8080, v3;
	v4 =	vsel vm14, $0xC280, v2;
	v0 =	vsel vm15, $0x2300, v0  }
0x16: {  	s18 =	sadd.s32 $0x13800, s20;
	s19 =	sadd.s32 $0x15000, s20;
	s20 =	sadd.s32 $0x16800, s20;
	v2 =	vsel vm15, $0x8100, v3;
	v3 =	vsel vm15, $0xC300, v4;
	v4 =	vimm.f32 $0.0e+00  }
.LBB2_1:
0x17: {  	[tilespmem:s3], [sflag:$0x3] =	stream.linear.gather [hbm4b:s5+s3], $0x280, $0x38;
	[tilespmem:$0x18300] =	vst v63  }
0x18: {  	_ =	swait.ge [sflag:s22], $0x280  }
0x19: {  	[sflag:s22] =	ssyncset.done $0x0  }
0x1a: {  	[sflag:s22] =	ssyncadd.s32 $0xFFFFFD80  }
0x1b: {  	[tilespmem:s23], [sflag:$0x3] =	stream.linear.gather [hbm4b:s2+s3], $0xC000, $0x38;
	[tilespmem:$0x18300] =	vst v63  }
0x1c: {  	_ =	swait.ge [sflag:s22], $0xC000  }
0x1d: {  	[sflag:s22] =	ssyncset.done $0x0  }
0x1e: {  	[sflag:s22] =	ssyncadd.s32 $0xFFFF4000  }
0x1f: {  	[tilespmem:s24], [sflag:$0x3] =	stream.linear.gather [hbm4b:s2+s3], $0xC000, $0x38;
	[tilespmem:$0x18300] =	vst v63  }
0x20: {  	_ =	swait.ge [sflag:s22], $0xC000  }
0x21: {  	[sflag:s22] =	ssyncset.done $0x0  }
0x22: {  	[sflag:s22] =	ssyncadd.s32 $0xFFFF4000  }
0x23: {  	v5 =	vld [tilespmem:$0x0];
	_ =	sdelay $0x4  }
0x24: {  	v6 =	vshll.u32 v5, $0x3  }
0x25: {  	v5 =	vand.u32 $0x7F, v5;
	v6 =	vand.u32 $0xFFFFFC00, v6  }
0x26: {  	v5 =	vor.u32 v5, v6  }
0x27: {  	v5 =	vadd.s32 v0, v5;
	_ =	sdelay $0x4  }
0x28: {  	[tilespmem:v5+s23+$0x0] =	vst.idx.msk $0xffff, v1  }
0x29: {  	v5 =	vld [tilespmem:$0x10];
	_ =	sdelay $0x4  }
0x2a: {  	v6 =	vshll.u32 v5, $0x3  }
0x2b: {  	v5 =	vand.u32 $0x7F, v5;
	v6 =	vand.u32 $0xFFFFFC00, v6  }
0x2c: {  	v5 =	vor.u32 v5, v6  }
0x2d: {  	v5 =	vadd.s32 v2, v5;
	_ =	sdelay $0x4  }
0x2e: {  	[tilespmem:v5+s23+$0x0] =	vst.idx.msk $0xffff, v1  }
0x2f: {  	v5 =	vld [tilespmem:$0x20];
	_ =	sdelay $0x4  }
0x30: {  	v6 =	vshll.u32 v5, $0x3  }
0x31: {  	v5 =	vand.u32 $0x7F, v5;
	v6 =	vand.u32 $0xFFFFFC00, v6  }
0x32: {  	v5 =	vor.u32 v5, v6  }
0x33: {  	v5 =	vadd.s32 v3, v5;
	_ =	sdelay $0x4  }
0x34: {  	[tilespmem:v5+s23+$0x0] =	vst.idx.msk $0xff, v1  }
0x35: {  	[hbm4b:s4+s3] =	stream.linear.scatter [tilespmem:s23], [sflag:$0x1], $0xC000, $0x38;
	[tilespmem:$0x18300] =	vst v63  }
0x36: {  	v5 =	vld [tilespmem:$0x28];
	_ =	sdelay $0x4  }
0x37: {  	v6 =	vshll.u32 v5, $0x3  }
0x38: {  	v5 =	vand.u32 $0x7F, v5;
	v6 =	vand.u32 $0xFFFFFC00, v6  }
0x39: {  	v5 =	vor.u32 v5, v6  }
0x3a: {  	v5 =	vadd.s32 v0, v5;
	_ =	sdelay $0x4  }
0x3b: {  	[tilespmem:v5+s24+$0x0] =	vst.idx.msk $0xffff, v1  }
0x3c: {  	v5 =	vld [tilespmem:$0x38];
	_ =	sdelay $0x4  }
0x3d: {  	v6 =	vshll.u32 v5, $0x3  }
0x3e: {  	v5 =	vand.u32 $0x7F, v5;
	v6 =	vand.u32 $0xFFFFFC00, v6  }
0x3f: {  	v5 =	vor.u32 v5, v6  }
0x40: {  	v5 =	vadd.s32 v2, v5;
	_ =	sdelay $0x4  }
0x41: {  	[tilespmem:v5+s24+$0x0] =	vst.idx.msk $0xffff, v1  }
0x42: {  	v5 =	vld [tilespmem:$0x48];
	_ =	sdelay $0x4  }
0x43: {  	v6 =	vshll.u32 v5, $0x3  }
0x44: {  	v5 =	vand.u32 $0x7F, v5;
	v6 =	vand.u32 $0xFFFFFC00, v6  }
0x45: {  	v5 =	vor.u32 v5, v6  }
0x46: {  	v5 =	vadd.s32 v3, v5;
	_ =	sdelay $0x4  }
0x47: {  	[tilespmem:v5+s24+$0x0] =	vst.idx.msk $0xff, v1  }
0x48: {  	[hbm4b:s6+s3] =	stream.linear.scatter [tilespmem:s24], [sflag:$0x2], $0xC000, $0x38;
	[tilespmem:$0x18300] =	vst v63  }
0x49: {  	_ =	swait.ge [sflag:s25], $0xC000  }
0x4a: {  	[sflag:s25] =	ssyncset.done $0x0  }
0x4b: {  	[sflag:s25] =	ssyncadd.s32 $0xFFFF4000  }
0x4c: {  	v5 =	vld [tilespmem:$0x0];
	_ =	sdelay $0x4  }
0x4d: {  	v6 =	vshll.u32 v5, $0x3  }
0x4e: {  	v5 =	vand.u32 $0x7F, v5;
	v6 =	vand.u32 $0xFFFFFC00, v6  }
0x4f: {  	v5 =	vor.u32 v5, v6  }
0x50: {  	v5 =	vadd.s32 v0, v5;
	_ =	sdelay $0x4  }
0x51: {  	[tilespmem:v5+s23+$0x0] =	vst.idx.msk $0xffff, v4  }
0x52: {  	v5 =	vld [tilespmem:$0x10];
	_ =	sdelay $0x4  }
0x53: {  	v6 =	vshll.u32 v5, $0x3  }
0x54: {  	v5 =	vand.u32 $0x7F, v5;
	v6 =	vand.u32 $0xFFFFFC00, v6  }
0x55: {  	v5 =	vor.u32 v5, v6  }
0x56: {  	v5 =	vadd.s32 v2, v5;
	_ =	sdelay $0x4  }
0x57: {  	[tilespmem:v5+s23+$0x0] =	vst.idx.msk $0xffff, v4  }
0x58: {  	v5 =	vld [tilespmem:$0x20];
	_ =	sdelay $0x4  }
0x59: {  	v6 =	vshll.u32 v5, $0x3  }
0x5a: {  	v5 =	vand.u32 $0x7F, v5;
	v6 =	vand.u32 $0xFFFFFC00, v6  }
0x5b: {  	v5 =	vor.u32 v5, v6  }
0x5c: {  	v5 =	vadd.s32 v3, v5;
	_ =	sdelay $0x4  }
0x5d: {  	[tilespmem:v5+s23+$0x0] =	vst.idx.msk $0xff, v4  }
0x5e: {  	v5 =	vld [tilespmem:$0x50];
	_ =	sdelay $0x4  }
0x5f: {  	v6 =	vshll.u32 v5, $0x3  }
0x60: {  	v5 =	vand.u32 $0x7F, v5;
	v6 =	vand.u32 $0xFFFFFC00, v6  }
0x61: {  	v5 =	vor.u32 v5, v6  }
0x62: {  	v5 =	vadd.s32 v0, v5;
	_ =	sdelay $0x4  }
0x63: {  	[tilespmem:v5+s23+$0x0] =	vst.idx.msk $0xffff, v1  }
0x64: {  	v5 =	vld [tilespmem:$0x60];
	_ =	sdelay $0x4  }
0x65: {  	v6 =	vshll.u32 v5, $0x3  }
0x66: {  	v5 =	vand.u32 $0x7F, v5;
	v6 =	vand.u32 $0xFFFFFC00, v6  }
0x67: {  	v5 =	vor.u32 v5, v6  }
0x68: {  	v5 =	vadd.s32 v2, v5;
	_ =	sdelay $0x4  }
0x69: {  	[tilespmem:v5+s23+$0x0] =	vst.idx.msk $0xffff, v1  }
0x6a: {  	v5 =	vld [tilespmem:$0x70];
	_ =	sdelay $0x4  }
0x6b: {  	v6 =	vshll.u32 v5, $0x3  }
0x6c: {  	v5 =	vand.u32 $0x7F, v5;
	v6 =	vand.u32 $0xFFFFFC00, v6  }
0x6d: {  	v5 =	vor.u32 v5, v6  }
0x6e: {  	v5 =	vadd.s32 v3, v5;
	_ =	sdelay $0x4  }
0x6f: {  	[tilespmem:v5+s23+$0x0] =	vst.idx.msk $0xff, v1  }
0x70: {  	[hbm4b:s7+s3] =	stream.linear.scatter [tilespmem:s23], [sflag:$0x1], $0xC000, $0x38;
	[tilespmem:$0x18300] =	vst v63  }
0x71: {  	_ =	swait.ge [sflag:s26], $0xC000  }
0x72: {  	[sflag:s26] =	ssyncset.done $0x0  }
0x73: {  	[sflag:s26] =	ssyncadd.s32 $0xFFFF4000  }
0x74: {  	v5 =	vld [tilespmem:$0x28];
	_ =	sdelay $0x4  }
0x75: {  	v6 =	vshll.u32 v5, $0x3  }
0x76: {  	v5 =	vand.u32 $0x7F, v5;
	v6 =	vand.u32 $0xFFFFFC00, v6  }
0x77: {  	v5 =	vor.u32 v5, v6  }
0x78: {  	v5 =	vadd.s32 v0, v5;
	_ =	sdelay $0x4  }
0x79: {  	[tilespmem:v5+s24+$0x0] =	vst.idx.msk $0xffff, v4  }
0x7a: {  	v5 =	vld [tilespmem:$0x38];
	_ =	sdelay $0x4  }
0x7b: {  	v6 =	vshll.u32 v5, $0x3  }
0x7c: {  	v5 =	vand.u32 $0x7F, v5;
	v6 =	vand.u32 $0xFFFFFC00, v6  }
0x7d: {  	v5 =	vor.u32 v5, v6  }
0x7e: {  	v5 =	vadd.s32 v2, v5;
	_ =	sdelay $0x4  }
0x7f: {  	[tilespmem:v5+s24+$0x0] =	vst.idx.msk $0xffff, v4  }
0x80: {  	v5 =	vld [tilespmem:$0x48];
	_ =	sdelay $0x4  }
0x81: {  	v6 =	vshll.u32 v5, $0x3  }
0x82: {  	v5 =	vand.u32 $0x7F, v5;
	v6 =	vand.u32 $0xFFFFFC00, v6  }
0x83: {  	v5 =	vor.u32 v5, v6  }
0x84: {  	v5 =	vadd.s32 v3, v5;
	_ =	sdelay $0x4  }
0x85: {  	[tilespmem:v5+s24+$0x0] =	vst.idx.msk $0xff, v4  }
0x86: {  	v5 =	vld [tilespmem:$0x78];
	_ =	sdelay $0x4  }
0x87: {  	v6 =	vshll.u32 v5, $0x3  }
0x88: {  	v5 =	vand.u32 $0x7F, v5;
	v6 =	vand.u32 $0xFFFFFC00, v6  }
0x89: {  	v5 =	vor.u32 v5, v6  }
0x8a: {  	v5 =	vadd.s32 v0, v5;
	_ =	sdelay $0x4  }
0x8b: {  	[tilespmem:v5+s24+$0x0] =	vst.idx.msk $0xffff, v1  }
0x8c: {  	v5 =	vld [tilespmem:$0x88];
	_ =	sdelay $0x4  }
0x8d: {  	v6 =	vshll.u32 v5, $0x3  }
0x8e: {  	v5 =	vand.u32 $0x7F, v5;
	v6 =	vand.u32 $0xFFFFFC00, v6  }
0x8f: {  	v5 =	vor.u32 v5, v6  }
0x90: {  	v5 =	vadd.s32 v2, v5;
	_ =	sdelay $0x4  }
0x91: {  	[tilespmem:v5+s24+$0x0] =	vst.idx.msk $0xffff, v1  }
0x92: {  	v5 =	vld [tilespmem:$0x98];
	_ =	sdelay $0x4  }
0x93: {  	v6 =	vshll.u32 v5, $0x3  }
0x94: {  	v5 =	vand.u32 $0x7F, v5;
	v6 =	vand.u32 $0xFFFFFC00, v6  }
0x95: {  	v5 =	vor.u32 v5, v6  }
0x96: {  	v5 =	vadd.s32 v3, v5;
	_ =	sdelay $0x4  }
0x97: {  	[tilespmem:v5+s24+$0x0] =	vst.idx.msk $0xff, v1  }
0x98: {  	[hbm4b:s8+s3] =	stream.linear.scatter [tilespmem:s24], [sflag:$0x2], $0xC000, $0x38;
	[tilespmem:$0x18300] =	vst v63  }
0x99: {  	_ =	swait.ge [sflag:s25], $0xC000  }
0x9a: {  	[sflag:s25] =	ssyncset.done $0x0  }
0x9b: {  	[sflag:s25] =	ssyncadd.s32 $0xFFFF4000  }
0x9c: {  	v5 =	vld [tilespmem:$0x50];
	_ =	sdelay $0x4  }
0x9d: {  	v6 =	vshll.u32 v5, $0x3  }
0x9e: {  	v5 =	vand.u32 $0x7F, v5;
	v6 =	vand.u32 $0xFFFFFC00, v6  }
0x9f: {  	v5 =	vor.u32 v5, v6  }
0xa0: {  	v5 =	vadd.s32 v0, v5;
	_ =	sdelay $0x4  }
0xa1: {  	[tilespmem:v5+s23+$0x0] =	vst.idx.msk $0xffff, v4  }
0xa2: {  	v5 =	vld [tilespmem:$0x60];
	_ =	sdelay $0x4  }
0xa3: {  	v6 =	vshll.u32 v5, $0x3  }
0xa4: {  	v5 =	vand.u32 $0x7F, v5;
	v6 =	vand.u32 $0xFFFFFC00, v6  }
0xa5: {  	v5 =	vor.u32 v5, v6  }
0xa6: {  	v5 =	vadd.s32 v2, v5;
	_ =	sdelay $0x4  }
0xa7: {  	[tilespmem:v5+s23+$0x0] =	vst.idx.msk $0xffff, v4  }
0xa8: {  	v5 =	vld [tilespmem:$0x70];
	_ =	sdelay $0x4  }
0xa9: {  	v6 =	vshll.u32 v5, $0x3  }
0xaa: {  	v5 =	vand.u32 $0x7F, v5;
	v6 =	vand.u32 $0xFFFFFC00, v6  }
0xab: {  	v5 =	vor.u32 v5, v6  }
0xac: {  	v5 =	vadd.s32 v3, v5;
	_ =	sdelay $0x4  }
0xad: {  	[tilespmem:v5+s23+$0x0] =	vst.idx.msk $0xff, v4  }
0xae: {  	v5 =	vld [tilespmem:$0xA0];
	_ =	sdelay $0x4  }
0xaf: {  	v6 =	vshll.u32 v5, $0x3  }
0xb0: {  	v5 =	vand.u32 $0x7F, v5;
	v6 =	vand.u32 $0xFFFFFC00, v6  }
0xb1: {  	v5 =	vor.u32 v5, v6  }
0xb2: {  	v5 =	vadd.s32 v0, v5;
	_ =	sdelay $0x4  }
0xb3: {  	[tilespmem:v5+s23+$0x0] =	vst.idx.msk $0xffff, v1  }
0xb4: {  	v5 =	vld [tilespmem:$0xB0];
	_ =	sdelay $0x4  }
0xb5: {  	v6 =	vshll.u32 v5, $0x3  }
0xb6: {  	v5 =	vand.u32 $0x7F, v5;
	v6 =	vand.u32 $0xFFFFFC00, v6  }
0xb7: {  	v5 =	vor.u32 v5, v6  }
0xb8: {  	v5 =	vadd.s32 v2, v5;
	_ =	sdelay $0x4  }
0xb9: {  	[tilespmem:v5+s23+$0x0] =	vst.idx.msk $0xffff, v1  }
0xba: {  	v5 =	vld [tilespmem:$0xC0];
	_ =	sdelay $0x4  }
0xbb: {  	v6 =	vshll.u32 v5, $0x3  }
0xbc: {  	v5 =	vand.u32 $0x7F, v5;
	v6 =	vand.u32 $0xFFFFFC00, v6  }
0xbd: {  	v5 =	vor.u32 v5, v6  }
0xbe: {  	v5 =	vadd.s32 v3, v5;
	_ =	sdelay $0x4  }
0xbf: {  	[tilespmem:v5+s23+$0x0] =	vst.idx.msk $0xff, v1  }
0xc0: {  	[hbm4b:s9+s3] =	stream.linear.scatter [tilespmem:s23], [sflag:$0x1], $0xC000, $0x38;
	[tilespmem:$0x18300] =	vst v63  }
0xc1: {  	_ =	swait.ge [sflag:s26], $0xC000  }
0xc2: {  	[sflag:s26] =	ssyncset.done $0x0  }
0xc3: {  	[sflag:s26] =	ssyncadd.s32 $0xFFFF4000  }
0xc4: {  	v5 =	vld [tilespmem:$0x78];
	_ =	sdelay $0x4  }
0xc5: {  	v6 =	vshll.u32 v5, $0x3  }
0xc6: {  	v5 =	vand.u32 $0x7F, v5;
	v6 =	vand.u32 $0xFFFFFC00, v6  }
0xc7: {  	v5 =	vor.u32 v5, v6  }
0xc8: {  	v5 =	vadd.s32 v0, v5;
	_ =	sdelay $0x4  }
0xc9: {  	[tilespmem:v5+s24+$0x0] =	vst.idx.msk $0xffff, v4  }
0xca: {  	v5 =	vld [tilespmem:$0x88];
	_ =	sdelay $0x4  }
0xcb: {  	v6 =	vshll.u32 v5, $0x3  }
0xcc: {  	v5 =	vand.u32 $0x7F, v5;
	v6 =	vand.u32 $0xFFFFFC00, v6  }
0xcd: {  	v5 =	vor.u32 v5, v6  }
0xce: {  	v5 =	vadd.s32 v2, v5;
	_ =	sdelay $0x4  }
0xcf: {  	[tilespmem:v5+s24+$0x0] =	vst.idx.msk $0xffff, v4  }
0xd0: {  	v5 =	vld [tilespmem:$0x98];
	_ =	sdelay $0x4  }
0xd1: {  	v6 =	vshll.u32 v5, $0x3  }
0xd2: {  	v5 =	vand.u32 $0x7F, v5;
	v6 =	vand.u32 $0xFFFFFC00, v6  }
0xd3: {  	v5 =	vor.u32 v5, v6  }
0xd4: {  	v5 =	vadd.s32 v3, v5;
	_ =	sdelay $0x4  }
0xd5: {  	[tilespmem:v5+s24+$0x0] =	vst.idx.msk $0xff, v4  }
0xd6: {  	v5 =	vld [tilespmem:$0xC8];
	_ =	sdelay $0x4  }
0xd7: {  	v6 =	vshll.u32 v5, $0x3  }
0xd8: {  	v5 =	vand.u32 $0x7F, v5;
	v6 =	vand.u32 $0xFFFFFC00, v6  }
0xd9: {  	v5 =	vor.u32 v5, v6  }
0xda: {  	v5 =	vadd.s32 v0, v5;
	_ =	sdelay $0x4  }
0xdb: {  	[tilespmem:v5+s24+$0x0] =	vst.idx.msk $0xffff, v1  }
0xdc: {  	v5 =	vld [tilespmem:$0xD8];
	_ =	sdelay $0x4  }
0xdd: {  	v6 =	vshll.u32 v5, $0x3  }
0xde: {  	v5 =	vand.u32 $0x7F, v5;
	v6 =	vand.u32 $0xFFFFFC00, v6  }
0xdf: {  	v5 =	vor.u32 v5, v6  }
0xe0: {  	v5 =	vadd.s32 v2, v5;
	_ =	sdelay $0x4  }
0xe1: {  	[tilespmem:v5+s24+$0x0] =	vst.idx.msk $0xffff, v1  }
0xe2: {  	v5 =	vld [tilespmem:$0xE8];
	_ =	sdelay $0x4  }
0xe3: {  	v6 =	vshll.u32 v5, $0x3  }
0xe4: {  	v5 =	vand.u32 $0x7F, v5;
	v6 =	vand.u32 $0xFFFFFC00, v6  }
0xe5: {  	v5 =	vor.u32 v5, v6  }
0xe6: {  	v5 =	vadd.s32 v3, v5;
	_ =	sdelay $0x4  }
0xe7: {  	[tilespmem:v5+s24+$0x0] =	vst.idx.msk $0xff, v1  }
0xe8: {  	[hbm4b:s10+s3] =	stream.linear.scatter [tilespmem:s24], [sflag:$0x2], $0xC000, $0x38;
	[tilespmem:$0x18300] =	vst v63  }
0xe9: {  	_ =	swait.ge [sflag:s25], $0xC000  }
0xea: {  	[sflag:s25] =	ssyncset.done $0x0  }
0xeb: {  	[sflag:s25] =	ssyncadd.s32 $0xFFFF4000  }
0xec: {  	v5 =	vld [tilespmem:$0xA0];
	_ =	sdelay $0x4  }
0xed: {  	v6 =	vshll.u32 v5, $0x3  }
0xee: {  	v5 =	vand.u32 $0x7F, v5;
	v6 =	vand.u32 $0xFFFFFC00, v6  }
0xef: {  	v5 =	vor.u32 v5, v6  }
0xf0: {  	v5 =	vadd.s32 v0, v5;
	_ =	sdelay $0x4  }
0xf1: {  	[tilespmem:v5+s23+$0x0] =	vst.idx.msk $0xffff, v4  }
0xf2: {  	v5 =	vld [tilespmem:$0xB0];
	_ =	sdelay $0x4  }
0xf3: {  	v6 =	vshll.u32 v5, $0x3  }
0xf4: {  	v5 =	vand.u32 $0x7F, v5;
	v6 =	vand.u32 $0xFFFFFC00, v6  }
0xf5: {  	v5 =	vor.u32 v5, v6  }
0xf6: {  	v5 =	vadd.s32 v2, v5;
	_ =	sdelay $0x4  }
0xf7: {  	[tilespmem:v5+s23+$0x0] =	vst.idx.msk $0xffff, v4  }
0xf8: {  	v5 =	vld [tilespmem:$0xC0];
	_ =	sdelay $0x4  }
0xf9: {  	v6 =	vshll.u32 v5, $0x3  }
0xfa: {  	v5 =	vand.u32 $0x7F, v5;
	v6 =	vand.u32 $0xFFFFFC00, v6  }
0xfb: {  	v5 =	vor.u32 v5, v6  }
0xfc: {  	v5 =	vadd.s32 v3, v5;
	_ =	sdelay $0x4  }
0xfd: {  	[tilespmem:v5+s23+$0x0] =	vst.idx.msk $0xff, v4  }
0xfe: {  	v5 =	vld [tilespmem:$0xF0];
	_ =	sdelay $0x4  }
0xff: {  	v6 =	vshll.u32 v5, $0x3  }
0x100: {  	v5 =	vand.u32 $0x7F, v5;
	v6 =	vand.u32 $0xFFFFFC00, v6  }
0x101: {  	v5 =	vor.u32 v5, v6  }
0x102: {  	v5 =	vadd.s32 v0, v5;
	_ =	sdelay $0x4  }
0x103: {  	[tilespmem:v5+s23+$0x0] =	vst.idx.msk $0xffff, v1  }
0x104: {  	v5 =	vld [tilespmem:$0x100];
	_ =	sdelay $0x4  }
0x105: {  	v6 =	vshll.u32 v5, $0x3  }
0x106: {  	v5 =	vand.u32 $0x7F, v5;
	v6 =	vand.u32 $0xFFFFFC00, v6  }
0x107: {  	v5 =	vor.u32 v5, v6  }
0x108: {  	v5 =	vadd.s32 v2, v5;
	_ =	sdelay $0x4  }
0x109: {  	[tilespmem:v5+s23+$0x0] =	vst.idx.msk $0xffff, v1  }
0x10a: {  	v5 =	vld [tilespmem:$0x110];
	_ =	sdelay $0x4  }
0x10b: {  	v6 =	vshll.u32 v5, $0x3  }
0x10c: {  	v5 =	vand.u32 $0x7F, v5;
	v6 =	vand.u32 $0xFFFFFC00, v6  }
0x10d: {  	v5 =	vor.u32 v5, v6  }
0x10e: {  	v5 =	vadd.s32 v3, v5;
	_ =	sdelay $0x4  }
0x10f: {  	[tilespmem:v5+s23+$0x0] =	vst.idx.msk $0xff, v1  }
0x110: {  	[hbm4b:s11+s3] =	stream.linear.scatter [tilespmem:s23], [sflag:$0x1], $0xC000, $0x38;
	[tilespmem:$0x18300] =	vst v63  }
0x111: {  	_ =	swait.ge [sflag:s26], $0xC000  }
0x112: {  	[sflag:s26] =	ssyncset.done $0x0  }
0x113: {  	[sflag:s26] =	ssyncadd.s32 $0xFFFF4000  }
0x114: {  	v5 =	vld [tilespmem:$0xC8];
	_ =	sdelay $0x4  }
0x115: {  	v6 =	vshll.u32 v5, $0x3  }
0x116: {  	v5 =	vand.u32 $0x7F, v5;
	v6 =	vand.u32 $0xFFFFFC00, v6  }
0x117: {  	v5 =	vor.u32 v5, v6  }
0x118: {  	v5 =	vadd.s32 v0, v5;
	_ =	sdelay $0x4  }
0x119: {  	[tilespmem:v5+s24+$0x0] =	vst.idx.msk $0xffff, v4  }
0x11a: {  	v5 =	vld [tilespmem:$0xD8];
	_ =	sdelay $0x4  }
0x11b: {  	v6 =	vshll.u32 v5, $0x3  }
0x11c: {  	v5 =	vand.u32 $0x7F, v5;
	v6 =	vand.u32 $0xFFFFFC00, v6  }
0x11d: {  	v5 =	vor.u32 v5, v6  }
0x11e: {  	v5 =	vadd.s32 v2, v5;
	_ =	sdelay $0x4  }
0x11f: {  	[tilespmem:v5+s24+$0x0] =	vst.idx.msk $0xffff, v4  }
0x120: {  	v5 =	vld [tilespmem:$0xE8];
	_ =	sdelay $0x4  }
0x121: {  	v6 =	vshll.u32 v5, $0x3  }
0x122: {  	v5 =	vand.u32 $0x7F, v5;
	v6 =	vand.u32 $0xFFFFFC00, v6  }
0x123: {  	v5 =	vor.u32 v5, v6  }
0x124: {  	v5 =	vadd.s32 v3, v5;
	_ =	sdelay $0x4  }
0x125: {  	[tilespmem:v5+s24+$0x0] =	vst.idx.msk $0xff, v4  }
0x126: {  	v5 =	vld [tilespmem:$0x118];
	_ =	sdelay $0x4  }
0x127: {  	v6 =	vshll.u32 v5, $0x3  }
0x128: {  	v5 =	vand.u32 $0x7F, v5;
	v6 =	vand.u32 $0xFFFFFC00, v6  }
0x129: {  	v5 =	vor.u32 v5, v6  }
0x12a: {  	v5 =	vadd.s32 v0, v5;
	_ =	sdelay $0x4  }
0x12b: {  	[tilespmem:v5+s24+$0x0] =	vst.idx.msk $0xffff, v1  }
0x12c: {  	v5 =	vld [tilespmem:$0x128];
	_ =	sdelay $0x4  }
0x12d: {  	v6 =	vshll.u32 v5, $0x3  }
0x12e: {  	v5 =	vand.u32 $0x7F, v5;
	v6 =	vand.u32 $0xFFFFFC00, v6  }
0x12f: {  	v5 =	vor.u32 v5, v6  }
0x130: {  	v5 =	vadd.s32 v2, v5;
	_ =	sdelay $0x4  }
0x131: {  	[tilespmem:v5+s24+$0x0] =	vst.idx.msk $0xffff, v1  }
0x132: {  	v5 =	vld [tilespmem:$0x138];
	_ =	sdelay $0x4  }
0x133: {  	v6 =	vshll.u32 v5, $0x3  }
0x134: {  	v5 =	vand.u32 $0x7F, v5;
	v6 =	vand.u32 $0xFFFFFC00, v6  }
0x135: {  	v5 =	vor.u32 v5, v6  }
0x136: {  	v5 =	vadd.s32 v3, v5;
	_ =	sdelay $0x4  }
0x137: {  	[tilespmem:v5+s24+$0x0] =	vst.idx.msk $0xff, v1  }
0x138: {  	[hbm4b:s12+s3] =	stream.linear.scatter [tilespmem:s24], [sflag:$0x2], $0xC000, $0x38;
	[tilespmem:$0x18300] =	vst v63  }
0x139: {  	_ =	swait.ge [sflag:s25], $0xC000  }
0x13a: {  	[sflag:s25] =	ssyncset.done $0x0  }
0x13b: {  	[sflag:s25] =	ssyncadd.s32 $0xFFFF4000  }
0x13c: {  	v5 =	vld [tilespmem:$0xF0];
	_ =	sdelay $0x4  }
0x13d: {  	v6 =	vshll.u32 v5, $0x3  }
0x13e: {  	v5 =	vand.u32 $0x7F, v5;
	v6 =	vand.u32 $0xFFFFFC00, v6  }
0x13f: {  	v5 =	vor.u32 v5, v6  }
0x140: {  	v5 =	vadd.s32 v0, v5;
	_ =	sdelay $0x4  }
0x141: {  	[tilespmem:v5+s23+$0x0] =	vst.idx.msk $0xffff, v4  }
0x142: {  	v5 =	vld [tilespmem:$0x100];
	_ =	sdelay $0x4  }
0x143: {  	v6 =	vshll.u32 v5, $0x3  }
0x144: {  	v5 =	vand.u32 $0x7F, v5;
	v6 =	vand.u32 $0xFFFFFC00, v6  }
0x145: {  	v5 =	vor.u32 v5, v6  }
0x146: {  	v5 =	vadd.s32 v2, v5;
	_ =	sdelay $0x4  }
0x147: {  	[tilespmem:v5+s23+$0x0] =	vst.idx.msk $0xffff, v4  }
0x148: {  	v5 =	vld [tilespmem:$0x110];
	_ =	sdelay $0x4  }
0x149: {  	v6 =	vshll.u32 v5, $0x3  }
0x14a: {  	v5 =	vand.u32 $0x7F, v5;
	v6 =	vand.u32 $0xFFFFFC00, v6  }
0x14b: {  	v5 =	vor.u32 v5, v6  }
0x14c: {  	v5 =	vadd.s32 v3, v5;
	_ =	sdelay $0x4  }
0x14d: {  	[tilespmem:v5+s23+$0x0] =	vst.idx.msk $0xff, v4  }
0x14e: {  	v5 =	vld [tilespmem:$0x140];
	_ =	sdelay $0x4  }
0x14f: {  	v6 =	vshll.u32 v5, $0x3  }
0x150: {  	v5 =	vand.u32 $0x7F, v5;
	v6 =	vand.u32 $0xFFFFFC00, v6  }
0x151: {  	v5 =	vor.u32 v5, v6  }
0x152: {  	v5 =	vadd.s32 v0, v5;
	_ =	sdelay $0x4  }
0x153: {  	[tilespmem:v5+s23+$0x0] =	vst.idx.msk $0xffff, v1  }
0x154: {  	v5 =	vld [tilespmem:$0x150];
	_ =	sdelay $0x4  }
0x155: {  	v6 =	vshll.u32 v5, $0x3  }
0x156: {  	v5 =	vand.u32 $0x7F, v5;
	v6 =	vand.u32 $0xFFFFFC00, v6  }
0x157: {  	v5 =	vor.u32 v5, v6  }
0x158: {  	v5 =	vadd.s32 v2, v5;
	_ =	sdelay $0x4  }
0x159: {  	[tilespmem:v5+s23+$0x0] =	vst.idx.msk $0xffff, v1  }
0x15a: {  	v5 =	vld [tilespmem:$0x160];
	_ =	sdelay $0x4  }
0x15b: {  	v6 =	vshll.u32 v5, $0x3  }
0x15c: {  	v5 =	vand.u32 $0x7F, v5;
	v6 =	vand.u32 $0xFFFFFC00, v6  }
0x15d: {  	v5 =	vor.u32 v5, v6  }
0x15e: {  	v5 =	vadd.s32 v3, v5;
	_ =	sdelay $0x4  }
0x15f: {  	[tilespmem:v5+s23+$0x0] =	vst.idx.msk $0xff, v1  }
0x160: {  	[hbm4b:s13+s3] =	stream.linear.scatter [tilespmem:s23], [sflag:$0x1], $0xC000, $0x38;
	[tilespmem:$0x18300] =	vst v63  }
0x161: {  	_ =	swait.ge [sflag:s26], $0xC000  }
0x162: {  	[sflag:s26] =	ssyncset.done $0x0  }
0x163: {  	[sflag:s26] =	ssyncadd.s32 $0xFFFF4000  }
0x164: {  	v5 =	vld [tilespmem:$0x118];
	_ =	sdelay $0x4  }
0x165: {  	v6 =	vshll.u32 v5, $0x3  }
0x166: {  	v5 =	vand.u32 $0x7F, v5;
	v6 =	vand.u32 $0xFFFFFC00, v6  }
0x167: {  	v5 =	vor.u32 v5, v6  }
0x168: {  	v5 =	vadd.s32 v0, v5;
	_ =	sdelay $0x4  }
0x169: {  	[tilespmem:v5+s24+$0x0] =	vst.idx.msk $0xffff, v4  }
0x16a: {  	v5 =	vld [tilespmem:$0x128];
	_ =	sdelay $0x4  }
0x16b: {  	v6 =	vshll.u32 v5, $0x3  }
0x16c: {  	v5 =	vand.u32 $0x7F, v5;
	v6 =	vand.u32 $0xFFFFFC00, v6  }
0x16d: {  	v5 =	vor.u32 v5, v6  }
0x16e: {  	v5 =	vadd.s32 v2, v5;
	_ =	sdelay $0x4  }
0x16f: {  	[tilespmem:v5+s24+$0x0] =	vst.idx.msk $0xffff, v4  }
0x170: {  	v5 =	vld [tilespmem:$0x138];
	_ =	sdelay $0x4  }
0x171: {  	v6 =	vshll.u32 v5, $0x3  }
0x172: {  	v5 =	vand.u32 $0x7F, v5;
	v6 =	vand.u32 $0xFFFFFC00, v6  }
0x173: {  	v5 =	vor.u32 v5, v6  }
0x174: {  	v5 =	vadd.s32 v3, v5;
	_ =	sdelay $0x4  }
0x175: {  	[tilespmem:v5+s24+$0x0] =	vst.idx.msk $0xff, v4  }
0x176: {  	v5 =	vld [tilespmem:$0x168];
	_ =	sdelay $0x4  }
0x177: {  	v6 =	vshll.u32 v5, $0x3  }
0x178: {  	v5 =	vand.u32 $0x7F, v5;
	v6 =	vand.u32 $0xFFFFFC00, v6  }
0x179: {  	v5 =	vor.u32 v5, v6  }
0x17a: {  	v5 =	vadd.s32 v0, v5;
	_ =	sdelay $0x4  }
0x17b: {  	[tilespmem:v5+s24+$0x0] =	vst.idx.msk $0xffff, v1  }
0x17c: {  	v5 =	vld [tilespmem:$0x178];
	_ =	sdelay $0x4  }
0x17d: {  	v6 =	vshll.u32 v5, $0x3  }
0x17e: {  	v5 =	vand.u32 $0x7F, v5;
	v6 =	vand.u32 $0xFFFFFC00, v6  }
0x17f: {  	v5 =	vor.u32 v5, v6  }
0x180: {  	v5 =	vadd.s32 v2, v5;
	_ =	sdelay $0x4  }
0x181: {  	[tilespmem:v5+s24+$0x0] =	vst.idx.msk $0xffff, v1  }
0x182: {  	v5 =	vld [tilespmem:$0x188];
	_ =	sdelay $0x4  }
0x183: {  	v6 =	vshll.u32 v5, $0x3  }
0x184: {  	v5 =	vand.u32 $0x7F, v5;
	v6 =	vand.u32 $0xFFFFFC00, v6  }
0x185: {  	v5 =	vor.u32 v5, v6  }
0x186: {  	v5 =	vadd.s32 v3, v5;
	_ =	sdelay $0x4  }
0x187: {  	[tilespmem:v5+s24+$0x0] =	vst.idx.msk $0xff, v1  }
0x188: {  	[hbm4b:s14+s3] =	stream.linear.scatter [tilespmem:s24], [sflag:$0x2], $0xC000, $0x38;
	[tilespmem:$0x18300] =	vst v63  }
0x189: {  	_ =	swait.ge [sflag:s25], $0xC000  }
0x18a: {  	[sflag:s25] =	ssyncset.done $0x0  }
0x18b: {  	[sflag:s25] =	ssyncadd.s32 $0xFFFF4000  }
0x18c: {  	v5 =	vld [tilespmem:$0x140];
	_ =	sdelay $0x4  }
0x18d: {  	v6 =	vshll.u32 v5, $0x3  }
0x18e: {  	v5 =	vand.u32 $0x7F, v5;
	v6 =	vand.u32 $0xFFFFFC00, v6  }
0x18f: {  	v5 =	vor.u32 v5, v6  }
0x190: {  	v5 =	vadd.s32 v0, v5;
	_ =	sdelay $0x4  }
0x191: {  	[tilespmem:v5+s23+$0x0] =	vst.idx.msk $0xffff, v4  }
0x192: {  	v5 =	vld [tilespmem:$0x150];
	_ =	sdelay $0x4  }
0x193: {  	v6 =	vshll.u32 v5, $0x3  }
0x194: {  	v5 =	vand.u32 $0x7F, v5;
	v6 =	vand.u32 $0xFFFFFC00, v6  }
0x195: {  	v5 =	vor.u32 v5, v6  }
0x196: {  	v5 =	vadd.s32 v2, v5;
	_ =	sdelay $0x4  }
0x197: {  	[tilespmem:v5+s23+$0x0] =	vst.idx.msk $0xffff, v4  }
0x198: {  	v5 =	vld [tilespmem:$0x160];
	_ =	sdelay $0x4  }
0x199: {  	v6 =	vshll.u32 v5, $0x3  }
0x19a: {  	v5 =	vand.u32 $0x7F, v5;
	v6 =	vand.u32 $0xFFFFFC00, v6  }
0x19b: {  	v5 =	vor.u32 v5, v6  }
0x19c: {  	v5 =	vadd.s32 v3, v5;
	_ =	sdelay $0x4  }
0x19d: {  	[tilespmem:v5+s23+$0x0] =	vst.idx.msk $0xff, v4  }
0x19e: {  	v5 =	vld [tilespmem:$0x190];
	_ =	sdelay $0x4  }
0x19f: {  	v6 =	vshll.u32 v5, $0x3  }
0x1a0: {  	v5 =	vand.u32 $0x7F, v5;
	v6 =	vand.u32 $0xFFFFFC00, v6  }
0x1a1: {  	v5 =	vor.u32 v5, v6  }
0x1a2: {  	v5 =	vadd.s32 v0, v5;
	_ =	sdelay $0x4  }
0x1a3: {  	[tilespmem:v5+s23+$0x0] =	vst.idx.msk $0xffff, v1  }
0x1a4: {  	v5 =	vld [tilespmem:$0x1A0];
	_ =	sdelay $0x4  }
0x1a5: {  	v6 =	vshll.u32 v5, $0x3  }
0x1a6: {  	v5 =	vand.u32 $0x7F, v5;
	v6 =	vand.u32 $0xFFFFFC00, v6  }
0x1a7: {  	v5 =	vor.u32 v5, v6  }
0x1a8: {  	v5 =	vadd.s32 v2, v5;
	_ =	sdelay $0x4  }
0x1a9: {  	[tilespmem:v5+s23+$0x0] =	vst.idx.msk $0xffff, v1  }
0x1aa: {  	v5 =	vld [tilespmem:$0x1B0];
	_ =	sdelay $0x4  }
0x1ab: {  	v6 =	vshll.u32 v5, $0x3  }
0x1ac: {  	v5 =	vand.u32 $0x7F, v5;
	v6 =	vand.u32 $0xFFFFFC00, v6  }
0x1ad: {  	v5 =	vor.u32 v5, v6  }
0x1ae: {  	v5 =	vadd.s32 v3, v5;
	_ =	sdelay $0x4  }
0x1af: {  	[tilespmem:v5+s23+$0x0] =	vst.idx.msk $0xff, v1  }
0x1b0: {  	[hbm4b:s15+s3] =	stream.linear.scatter [tilespmem:s23], [sflag:$0x1], $0xC000, $0x38;
	[tilespmem:$0x18300] =	vst v63  }
0x1b1: {  	_ =	swait.ge [sflag:s26], $0xC000  }
0x1b2: {  	[sflag:s26] =	ssyncset.done $0x0  }
0x1b3: {  	[sflag:s26] =	ssyncadd.s32 $0xFFFF4000  }
0x1b4: {  	v5 =	vld [tilespmem:$0x168];
	_ =	sdelay $0x4  }
0x1b5: {  	v6 =	vshll.u32 v5, $0x3  }
0x1b6: {  	v5 =	vand.u32 $0x7F, v5;
	v6 =	vand.u32 $0xFFFFFC00, v6  }
0x1b7: {  	v5 =	vor.u32 v5, v6  }
0x1b8: {  	v5 =	vadd.s32 v0, v5;
	_ =	sdelay $0x4  }
0x1b9: {  	[tilespmem:v5+s24+$0x0] =	vst.idx.msk $0xffff, v4  }
0x1ba: {  	v5 =	vld [tilespmem:$0x178];
	_ =	sdelay $0x4  }
0x1bb: {  	v6 =	vshll.u32 v5, $0x3  }
0x1bc: {  	v5 =	vand.u32 $0x7F, v5;
	v6 =	vand.u32 $0xFFFFFC00, v6  }
0x1bd: {  	v5 =	vor.u32 v5, v6  }
0x1be: {  	v5 =	vadd.s32 v2, v5;
	_ =	sdelay $0x4  }
0x1bf: {  	[tilespmem:v5+s24+$0x0] =	vst.idx.msk $0xffff, v4  }
0x1c0: {  	v5 =	vld [tilespmem:$0x188];
	_ =	sdelay $0x4  }
0x1c1: {  	v6 =	vshll.u32 v5, $0x3  }
0x1c2: {  	v5 =	vand.u32 $0x7F, v5;
	v6 =	vand.u32 $0xFFFFFC00, v6  }
0x1c3: {  	v5 =	vor.u32 v5, v6  }
0x1c4: {  	v5 =	vadd.s32 v3, v5;
	_ =	sdelay $0x4  }
0x1c5: {  	[tilespmem:v5+s24+$0x0] =	vst.idx.msk $0xff, v4  }
0x1c6: {  	v5 =	vld [tilespmem:$0x1B8];
	_ =	sdelay $0x4  }
0x1c7: {  	v6 =	vshll.u32 v5, $0x3  }
0x1c8: {  	v5 =	vand.u32 $0x7F, v5;
	v6 =	vand.u32 $0xFFFFFC00, v6  }
0x1c9: {  	v5 =	vor.u32 v5, v6  }
0x1ca: {  	v5 =	vadd.s32 v0, v5;
	_ =	sdelay $0x4  }
0x1cb: {  	[tilespmem:v5+s24+$0x0] =	vst.idx.msk $0xffff, v1  }
0x1cc: {  	v5 =	vld [tilespmem:$0x1C8];
	_ =	sdelay $0x4  }
0x1cd: {  	v6 =	vshll.u32 v5, $0x3  }
0x1ce: {  	v5 =	vand.u32 $0x7F, v5;
	v6 =	vand.u32 $0xFFFFFC00, v6  }
0x1cf: {  	v5 =	vor.u32 v5, v6  }
0x1d0: {  	v5 =	vadd.s32 v2, v5;
	_ =	sdelay $0x4  }
0x1d1: {  	[tilespmem:v5+s24+$0x0] =	vst.idx.msk $0xffff, v1  }
0x1d2: {  	v5 =	vld [tilespmem:$0x1D8];
	_ =	sdelay $0x4  }
0x1d3: {  	v6 =	vshll.u32 v5, $0x3  }
0x1d4: {  	v5 =	vand.u32 $0x7F, v5;
	v6 =	vand.u32 $0xFFFFFC00, v6  }
0x1d5: {  	v5 =	vor.u32 v5, v6  }
0x1d6: {  	v5 =	vadd.s32 v3, v5;
	_ =	sdelay $0x4  }
0x1d7: {  	[tilespmem:v5+s24+$0x0] =	vst.idx.msk $0xff, v1  }
0x1d8: {  	[hbm4b:s16+s3] =	stream.linear.scatter [tilespmem:s24], [sflag:$0x2], $0xC000, $0x38;
	[tilespmem:$0x18300] =	vst v63  }
0x1d9: {  	_ =	swait.ge [sflag:s25], $0xC000  }
0x1da: {  	[sflag:s25] =	ssyncset.done $0x0  }
0x1db: {  	[sflag:s25] =	ssyncadd.s32 $0xFFFF4000  }
0x1dc: {  	v5 =	vld [tilespmem:$0x190];
	_ =	sdelay $0x4  }
0x1dd: {  	v6 =	vshll.u32 v5, $0x3  }
0x1de: {  	v5 =	vand.u32 $0x7F, v5;
	v6 =	vand.u32 $0xFFFFFC00, v6  }
0x1df: {  	v5 =	vor.u32 v5, v6  }
0x1e0: {  	v5 =	vadd.s32 v0, v5;
	_ =	sdelay $0x4  }
0x1e1: {  	[tilespmem:v5+s23+$0x0] =	vst.idx.msk $0xffff, v4  }
0x1e2: {  	v5 =	vld [tilespmem:$0x1A0];
	_ =	sdelay $0x4  }
0x1e3: {  	v6 =	vshll.u32 v5, $0x3  }
0x1e4: {  	v5 =	vand.u32 $0x7F, v5;
	v6 =	vand.u32 $0xFFFFFC00, v6  }
0x1e5: {  	v5 =	vor.u32 v5, v6  }
0x1e6: {  	v5 =	vadd.s32 v2, v5;
	_ =	sdelay $0x4  }
0x1e7: {  	[tilespmem:v5+s23+$0x0] =	vst.idx.msk $0xffff, v4  }
0x1e8: {  	v5 =	vld [tilespmem:$0x1B0];
	_ =	sdelay $0x4  }
0x1e9: {  	v6 =	vshll.u32 v5, $0x3  }
0x1ea: {  	v5 =	vand.u32 $0x7F, v5;
	v6 =	vand.u32 $0xFFFFFC00, v6  }
0x1eb: {  	v5 =	vor.u32 v5, v6  }
0x1ec: {  	v5 =	vadd.s32 v3, v5;
	_ =	sdelay $0x4  }
0x1ed: {  	[tilespmem:v5+s23+$0x0] =	vst.idx.msk $0xff, v4  }
0x1ee: {  	v5 =	vld [tilespmem:$0x1E0];
	_ =	sdelay $0x4  }
0x1ef: {  	v6 =	vshll.u32 v5, $0x3  }
0x1f0: {  	v5 =	vand.u32 $0x7F, v5;
	v6 =	vand.u32 $0xFFFFFC00, v6  }
0x1f1: {  	v5 =	vor.u32 v5, v6  }
0x1f2: {  	v5 =	vadd.s32 v0, v5;
	_ =	sdelay $0x4  }
0x1f3: {  	[tilespmem:v5+s23+$0x0] =	vst.idx.msk $0xffff, v1  }
0x1f4: {  	v5 =	vld [tilespmem:$0x1F0];
	_ =	sdelay $0x4  }
0x1f5: {  	v6 =	vshll.u32 v5, $0x3  }
0x1f6: {  	v5 =	vand.u32 $0x7F, v5;
	v6 =	vand.u32 $0xFFFFFC00, v6  }
0x1f7: {  	v5 =	vor.u32 v5, v6  }
0x1f8: {  	v5 =	vadd.s32 v2, v5;
	_ =	sdelay $0x4  }
0x1f9: {  	[tilespmem:v5+s23+$0x0] =	vst.idx.msk $0xffff, v1  }
0x1fa: {  	v5 =	vld [tilespmem:$0x200];
	_ =	sdelay $0x4  }
0x1fb: {  	v6 =	vshll.u32 v5, $0x3  }
0x1fc: {  	v5 =	vand.u32 $0x7F, v5;
	v6 =	vand.u32 $0xFFFFFC00, v6  }
0x1fd: {  	v5 =	vor.u32 v5, v6  }
0x1fe: {  	v5 =	vadd.s32 v3, v5;
	_ =	sdelay $0x4  }
0x1ff: {  	[tilespmem:v5+s23+$0x0] =	vst.idx.msk $0xff, v1  }
0x200: {  	[hbm4b:s17+s3] =	stream.linear.scatter [tilespmem:s23], [sflag:$0x1], $0xC000, $0x38;
	[tilespmem:$0x18300] =	vst v63  }
0x201: {  	_ =	swait.ge [sflag:s26], $0xC000  }
0x202: {  	[sflag:s26] =	ssyncset.done $0x0  }
0x203: {  	[sflag:s26] =	ssyncadd.s32 $0xFFFF4000  }
0x204: {  	v5 =	vld [tilespmem:$0x1B8];
	_ =	sdelay $0x4  }
0x205: {  	v6 =	vshll.u32 v5, $0x3  }
0x206: {  	v5 =	vand.u32 $0x7F, v5;
	v6 =	vand.u32 $0xFFFFFC00, v6  }
0x207: {  	v5 =	vor.u32 v5, v6  }
0x208: {  	v5 =	vadd.s32 v0, v5;
	_ =	sdelay $0x4  }
0x209: {  	[tilespmem:v5+s24+$0x0] =	vst.idx.msk $0xffff, v4  }
0x20a: {  	v5 =	vld [tilespmem:$0x1C8];
	_ =	sdelay $0x4  }
0x20b: {  	v6 =	vshll.u32 v5, $0x3  }
0x20c: {  	v5 =	vand.u32 $0x7F, v5;
	v6 =	vand.u32 $0xFFFFFC00, v6  }
0x20d: {  	v5 =	vor.u32 v5, v6  }
0x20e: {  	v5 =	vadd.s32 v2, v5;
	_ =	sdelay $0x4  }
0x20f: {  	[tilespmem:v5+s24+$0x0] =	vst.idx.msk $0xffff, v4  }
0x210: {  	v5 =	vld [tilespmem:$0x1D8];
	_ =	sdelay $0x4  }
0x211: {  	v6 =	vshll.u32 v5, $0x3  }
0x212: {  	v5 =	vand.u32 $0x7F, v5;
	v6 =	vand.u32 $0xFFFFFC00, v6  }
0x213: {  	v5 =	vor.u32 v5, v6  }
0x214: {  	v5 =	vadd.s32 v3, v5;
	_ =	sdelay $0x4  }
0x215: {  	[tilespmem:v5+s24+$0x0] =	vst.idx.msk $0xff, v4  }
0x216: {  	v5 =	vld [tilespmem:$0x208];
	_ =	sdelay $0x4  }
0x217: {  	v6 =	vshll.u32 v5, $0x3  }
0x218: {  	v5 =	vand.u32 $0x7F, v5;
	v6 =	vand.u32 $0xFFFFFC00, v6  }
0x219: {  	v5 =	vor.u32 v5, v6  }
0x21a: {  	v5 =	vadd.s32 v0, v5;
	_ =	sdelay $0x4  }
0x21b: {  	[tilespmem:v5+s24+$0x0] =	vst.idx.msk $0xffff, v1  }
0x21c: {  	v5 =	vld [tilespmem:$0x218];
	_ =	sdelay $0x4  }
0x21d: {  	v6 =	vshll.u32 v5, $0x3  }
0x21e: {  	v5 =	vand.u32 $0x7F, v5;
	v6 =	vand.u32 $0xFFFFFC00, v6  }
0x21f: {  	v5 =	vor.u32 v5, v6  }
0x220: {  	v5 =	vadd.s32 v2, v5;
	_ =	sdelay $0x4  }
0x221: {  	[tilespmem:v5+s24+$0x0] =	vst.idx.msk $0xffff, v1  }
0x222: {  	v5 =	vld [tilespmem:$0x228];
	_ =	sdelay $0x4  }
0x223: {  	v6 =	vshll.u32 v5, $0x3  }
0x224: {  	v5 =	vand.u32 $0x7F, v5;
	v6 =	vand.u32 $0xFFFFFC00, v6  }
0x225: {  	v5 =	vor.u32 v5, v6  }
0x226: {  	v5 =	vadd.s32 v3, v5;
	_ =	sdelay $0x4  }
0x227: {  	[tilespmem:v5+s24+$0x0] =	vst.idx.msk $0xff, v1  }
0x228: {  	[hbm4b:s18+s3] =	stream.linear.scatter [tilespmem:s24], [sflag:$0x2], $0xC000, $0x38;
	[tilespmem:$0x18300] =	vst v63  }
0x229: {  	_ =	swait.ge [sflag:s25], $0xC000  }
0x22a: {  	[sflag:s25] =	ssyncset.done $0x0  }
0x22b: {  	[sflag:s25] =	ssyncadd.s32 $0xFFFF4000  }
0x22c: {  	v5 =	vld [tilespmem:$0x1E0];
	_ =	sdelay $0x4  }
0x22d: {  	v6 =	vshll.u32 v5, $0x3  }
0x22e: {  	v5 =	vand.u32 $0x7F, v5;
	v6 =	vand.u32 $0xFFFFFC00, v6  }
0x22f: {  	v5 =	vor.u32 v5, v6  }
0x230: {  	v5 =	vadd.s32 v0, v5;
	_ =	sdelay $0x4  }
0x231: {  	[tilespmem:v5+s23+$0x0] =	vst.idx.msk $0xffff, v4  }
0x232: {  	v5 =	vld [tilespmem:$0x1F0];
	_ =	sdelay $0x4  }
0x233: {  	v6 =	vshll.u32 v5, $0x3  }
0x234: {  	v5 =	vand.u32 $0x7F, v5;
	v6 =	vand.u32 $0xFFFFFC00, v6  }
0x235: {  	v5 =	vor.u32 v5, v6  }
0x236: {  	v5 =	vadd.s32 v2, v5;
	_ =	sdelay $0x4  }
0x237: {  	[tilespmem:v5+s23+$0x0] =	vst.idx.msk $0xffff, v4  }
0x238: {  	v5 =	vld [tilespmem:$0x200];
	_ =	sdelay $0x4  }
0x239: {  	v6 =	vshll.u32 v5, $0x3  }
0x23a: {  	v5 =	vand.u32 $0x7F, v5;
	v6 =	vand.u32 $0xFFFFFC00, v6  }
0x23b: {  	v5 =	vor.u32 v5, v6  }
0x23c: {  	v5 =	vadd.s32 v3, v5;
	_ =	sdelay $0x4  }
0x23d: {  	[tilespmem:v5+s23+$0x0] =	vst.idx.msk $0xff, v4  }
0x23e: {  	v5 =	vld [tilespmem:$0x230];
	_ =	sdelay $0x4  }
0x23f: {  	v6 =	vshll.u32 v5, $0x3  }
0x240: {  	v5 =	vand.u32 $0x7F, v5;
	v6 =	vand.u32 $0xFFFFFC00, v6  }
0x241: {  	v5 =	vor.u32 v5, v6  }
0x242: {  	v5 =	vadd.s32 v0, v5;
	_ =	sdelay $0x4  }
0x243: {  	[tilespmem:v5+s23+$0x0] =	vst.idx.msk $0xffff, v1  }
0x244: {  	v5 =	vld [tilespmem:$0x240];
	_ =	sdelay $0x4  }
0x245: {  	v6 =	vshll.u32 v5, $0x3  }
0x246: {  	v5 =	vand.u32 $0x7F, v5;
	v6 =	vand.u32 $0xFFFFFC00, v6  }
0x247: {  	v5 =	vor.u32 v5, v6  }
0x248: {  	v5 =	vadd.s32 v2, v5;
	_ =	sdelay $0x4  }
0x249: {  	[tilespmem:v5+s23+$0x0] =	vst.idx.msk $0xffff, v1  }
0x24a: {  	v5 =	vld [tilespmem:$0x250];
	_ =	sdelay $0x4  }
0x24b: {  	v6 =	vshll.u32 v5, $0x3  }
0x24c: {  	v5 =	vand.u32 $0x7F, v5;
	v6 =	vand.u32 $0xFFFFFC00, v6  }
0x24d: {  	v5 =	vor.u32 v5, v6  }
0x24e: {  	v5 =	vadd.s32 v3, v5;
	_ =	sdelay $0x4  }
0x24f: {  	[tilespmem:v5+s23+$0x0] =	vst.idx.msk $0xff, v1  }
0x250: {  	[hbm4b:s19+s3] =	stream.linear.scatter [tilespmem:s23], [sflag:$0x1], $0xC000, $0x38;
	[tilespmem:$0x18300] =	vst v63  }
0x251: {  	_ =	swait.ge [sflag:s26], $0xC000  }
0x252: {  	[sflag:s26] =	ssyncset.done $0x0  }
0x253: {  	[sflag:s26] =	ssyncadd.s32 $0xFFFF4000  }
0x254: {  	v5 =	vld [tilespmem:$0x208];
	_ =	sdelay $0x4  }
0x255: {  	v6 =	vshll.u32 v5, $0x3  }
0x256: {  	v5 =	vand.u32 $0x7F, v5;
	v6 =	vand.u32 $0xFFFFFC00, v6  }
0x257: {  	v5 =	vor.u32 v5, v6  }
0x258: {  	v5 =	vadd.s32 v0, v5;
	_ =	sdelay $0x4  }
0x259: {  	[tilespmem:v5+s24+$0x0] =	vst.idx.msk $0xffff, v4  }
0x25a: {  	v5 =	vld [tilespmem:$0x218];
	_ =	sdelay $0x4  }
0x25b: {  	v6 =	vshll.u32 v5, $0x3  }
0x25c: {  	v5 =	vand.u32 $0x7F, v5;
	v6 =	vand.u32 $0xFFFFFC00, v6  }
0x25d: {  	v5 =	vor.u32 v5, v6  }
0x25e: {  	v5 =	vadd.s32 v2, v5;
	_ =	sdelay $0x4  }
0x25f: {  	[tilespmem:v5+s24+$0x0] =	vst.idx.msk $0xffff, v4  }
0x260: {  	v5 =	vld [tilespmem:$0x228];
	_ =	sdelay $0x4  }
0x261: {  	v6 =	vshll.u32 v5, $0x3  }
0x262: {  	v5 =	vand.u32 $0x7F, v5;
	v6 =	vand.u32 $0xFFFFFC00, v6  }
0x263: {  	v5 =	vor.u32 v5, v6  }
0x264: {  	v5 =	vadd.s32 v3, v5;
	_ =	sdelay $0x4  }
0x265: {  	[tilespmem:v5+s24+$0x0] =	vst.idx.msk $0xff, v4  }
0x266: {  	v5 =	vld [tilespmem:$0x258];
	_ =	sdelay $0x4  }
0x267: {  	v6 =	vshll.u32 v5, $0x3  }
0x268: {  	v5 =	vand.u32 $0x7F, v5;
	v6 =	vand.u32 $0xFFFFFC00, v6  }
0x269: {  	v5 =	vor.u32 v5, v6  }
0x26a: {  	v5 =	vadd.s32 v0, v5;
	_ =	sdelay $0x4  }
0x26b: {  	[tilespmem:v5+s24+$0x0] =	vst.idx.msk $0xffff, v1  }
0x26c: {  	v5 =	vld [tilespmem:$0x268];
	_ =	sdelay $0x4  }
0x26d: {  	v6 =	vshll.u32 v5, $0x3  }
0x26e: {  	v5 =	vand.u32 $0x7F, v5;
	v6 =	vand.u32 $0xFFFFFC00, v6  }
0x26f: {  	v5 =	vor.u32 v5, v6  }
0x270: {  	v5 =	vadd.s32 v2, v5;
	_ =	sdelay $0x4  }
0x271: {  	[tilespmem:v5+s24+$0x0] =	vst.idx.msk $0xffff, v1  }
0x272: {  	v5 =	vld [tilespmem:$0x278];
	_ =	sdelay $0x4  }
0x273: {  	v6 =	vshll.u32 v5, $0x3  }
0x274: {  	v5 =	vand.u32 $0x7F, v5;
	v6 =	vand.u32 $0xFFFFFC00, v6  }
0x275: {  	v5 =	vor.u32 v5, v6  }
0x276: {  	v5 =	vadd.s32 v3, v5;
	_ =	sdelay $0x4  }
0x277: {  	[tilespmem:v5+s24+$0x0] =	vst.idx.msk $0xff, v1  }
0x278: {  	[hbm4b:s20+s3] =	stream.linear.scatter [tilespmem:s24], [sflag:$0x2], $0xC000, $0x38;
	[tilespmem:$0x18300] =	vst v63  }
0x279: {  	p0 =	sne.s32 s21, $0x1;
	_ =	swait.ge [sflag:s25], $0xC000  }
.Ltmp0:
0x27a: {  	[sflag:s25] =	ssyncset.done $0x0;
	(pc) =	sbr.rel @p0 .LBB2_1-.Ltmp0, $4  }
0x27b: {  	[sflag:s25] =	ssyncadd.s32 $0xFFFF4000  }
0x27c: {  	_ =	swait.ge [sflag:s26], $0xC000  }
0x27d: {  	[sflag:s26] =	ssyncset.done $0x0  }
0x27e: {  	s21 =	sadd.s32 $0xFFFFFFFF, s21;
	[sflag:s26] =	ssyncadd.s32 $0xFFFF4000  }
0x27f: {  	_ =	sfence.sel $0x180000  }
0x280: {  	[bflag:$0x0] =	sbarrier.arrive $0xFFFF  }
0x281: {  	p0 =	sne.s32 s0, $0x0;
	_ =	strace $0x90000047  }
0x282: {  	s0 =	sadd.s32 @!p0 $0x100000, s1;
	[bflag:$0x2] =	sbarrier.arrive $0xFFFF  }
0x283: {  	[sflag:s0] =	ssyncadd.tile.s32 @!p0 $0x1;
	_ =	shalt  }
.Lfunc_end2:
_tile_overlayer_lowered:
.L_overlay_start_2:
0x284: {  	(tag) =	ssettag $0x2  }
0x285: {  	s0 =	rddreg [dreg:$0x0];
	s2 =	stileid.u32  }
0x286: {  	s1 =	rddreg [dreg:$0x1];
	p0 =	sne.s32 s2, $0x0  }
0x287: {  	s3 =	rddreg [dreg:$0x2];
	[bflag:$0x3] =	sbarrier.arrive $0xFFFF;
	s2 =	simm.s32 @!p0 $0x1C03  }
0x288: {  	[timem:s3], [sflag:s2] =	dma.local @!p0 [hbm:s0], s1  }
0x289: {  	s0 =	simm.s32 @!p0 $0x3  }
0x28a: {  	_ =	swait.ge @!p0 [sflag:s0], s1  }
0x28b: {  	s1 =	ssub.s32 @!p0 $0x0, s1;
	[sflag:s0] =	ssyncset.done @!p0 $0x0  }
0x28c: {  	[sflag:s0] =	ssyncadd.s32 @!p0 s1  }
0x28d: {  	[bflag:$0x3] =	sbarrier.arrive $0xFFFF  }
0x28e: {  	_ =	shalt  }

</sc_bundles>
